<compile_context>
chip_gen: v7x
topology: tpu7x:2x2x1
jax: 0.10.2.dev20260603
libtpu: 0.0.44.dev20260713+nightly
codegen_flags: <defaults>
</compile_context>

<pallas_src>
import jax
import jax.numpy as jnp
from jax import lax
from jax.experimental import pallas as pl
from jax.experimental.pallas import tpu as pltpu
from jax.experimental.pallas import tpu_sc as plsc

PATCH = 16
FEAT = 24
NP_ = FEAT * FEAT
CUT = NP_ // 2
IMG = FEAT * PATCH
RB = 128
NRB = IMG // RB
COLW = RB * IMG
NCHUNK = NP_ // 16
NHEAD = 12


def _sel_sc_body(xr_hbm, sel_hbm, xbuf, kbuf, sbuf):
    wid = lax.axis_index("s") * 2 + lax.axis_index("c")

    @pl.when(wid < xr_hbm.shape[0])
    def _():
        b = wid
        pltpu.sync_copy(xr_hbm.at[b], xbuf)

        def score_chunk(i, carry):
            acc = xbuf[0, pl.ds(i * 16, 16)]
            for h in range(1, NHEAD):
                acc = acc + xbuf[h, pl.ds(i * 16, 16)]
            bits = lax.bitcast_convert_type(acc, jnp.int32)
            key = jnp.where(bits < 0, jnp.int32(-2147483648) - bits, bits)
            ukey = lax.bitcast_convert_type(key ^ jnp.int32(-2147483648),
                                            jnp.uint32)
            kbuf[pl.ds(i * 16, 16)] = ukey
            return carry

        lax.fori_loop(0, NCHUNK, score_chunk, jnp.int32(0))

        def _tot(v):
            parts = [v[l] for l in range(16)]
            while len(parts) > 1:
                parts = [parts[i] + parts[i + 1]
                         for i in range(0, len(parts), 2)]
            return parts[0]

        one = jnp.int32(1)
        zero = jnp.int32(0)

        def count_ge(tval):
            tv16 = jnp.full((16,), tval, jnp.uint32)

            def cbody(i, c):
                for u in range(4):
                    k = kbuf[pl.ds((i * 4 + u) * 16, 16)]
                    c = c + jnp.where(k >= tv16, one, zero)
                return c

            c = lax.fori_loop(0, NCHUNK // 4, cbody,
                              jnp.zeros((16,), jnp.int32))
            return _tot(c)

        def bis(it, carry):
            t, bit = carry
            cand = t | bit
            t = jnp.where(count_ge(cand) >= CUT, cand, t)
            return t, bit >> jnp.uint32(1)

        tsel, _ = lax.fori_loop(0, 32, bis,
                                (jnp.uint32(0), jnp.uint32(1 << 31)))

        tv16 = jnp.full((16,), tsel, jnp.uint32)

        def cgt_body(i, c):
            for u in range(4):
                k = kbuf[pl.ds((i * 4 + u) * 16, 16)]
                c = c + jnp.where(k > tv16, one, zero)
            return c

        count_gt = _tot(lax.fori_loop(0, NCHUNK // 4, cgt_body,
                                      jnp.zeros((16,), jnp.int32)))
        need_eq = jnp.int32(CUT) - count_gt

        lane = lax.iota(jnp.int32, 16)

        def mbody(i, rbefore):
            k = kbuf[pl.ds(i * 16, 16)]
            gt = k > tv16
            eq = k == tv16
            eqiv = jnp.where(eq, one, zero)
            eqtot = _tot(eqiv)

            def with_eq(_):
                r = need_eq - rbefore
                r_eff = jnp.minimum(jnp.maximum(r, zero), eqtot)
                r_m = jnp.where(r_eff <= 0, jnp.int32(999), r_eff)
                run = zero
                lc = jnp.int32(-1)
                for l in range(16):
                    run = run + eqiv[l]
                    lc = jnp.where((lc == -1) & (run == r_m),
                                   jnp.int32(l), lc)
                return lc

            lcut = lax.cond(eqtot > 0, with_eq,
                            lambda _: jnp.int32(-1), zero)
            sel_eq = eq & (lane <= jnp.full((16,), lcut, jnp.int32))
            selv = gt | sel_eq
            sbuf[pl.ds(i * 16, 16)] = jnp.where(selv, 1.0, 0.0)
            return rbefore + eqtot

        lax.fori_loop(0, NCHUNK, mbody, jnp.int32(0))
        pltpu.sync_copy(sbuf, sel_hbm.at[b])


def _select_topk_sc(xr):
    b = xr.shape[0]
    mesh = plsc.VectorSubcoreMesh(core_axis_name="c", subcore_axis_name="s")
    return pl.kernel(
        _sel_sc_body,
        out_type=jax.ShapeDtypeStruct((b, NP_), jnp.float32),
        mesh=mesh,
        scratch_types=[
            pltpu.VMEM((NHEAD, NP_), jnp.float32),
            pltpu.VMEM((NP_,), jnp.uint32),
            pltpu.VMEM((NP_,), jnp.float32),
        ],
    )(xr)


def _fix_kernel(sel_ref, img_ref, out_ref, mh_ref):
    j = pl.program_id(0)

    @pl.when(j == 0)
    def _expand_masks():
        p_g = lax.broadcasted_iota(jnp.int32, (FEAT, NP_), 1)
        i_g = lax.broadcasted_iota(jnp.int32, (FEAT, NP_), 0)
        G = ((p_g // FEAT) == i_g).astype(jnp.float32)
        p_h = lax.broadcasted_iota(jnp.int32, (NP_, FEAT), 0)
        j_h = lax.broadcasted_iota(jnp.int32, (NP_, FEAT), 1)
        H = ((p_h % FEAT) == j_h).astype(jnp.float32)
        k_t = lax.broadcasted_iota(jnp.int32, (FEAT, IMG), 0)
        c_t = lax.broadcasted_iota(jnp.int32, (FEAT, IMG), 1)
        ET = ((c_t // PATCH) == k_t).astype(jnp.float32)

        for b in range(sel_ref.shape[0]):
            srow = sel_ref[pl.ds(b, 1), :]
            m2 = jnp.dot(G * srow, H,
                         preferred_element_type=jnp.float32)
            mh_ref[b] = jnp.dot(m2, ET,
                                preferred_element_type=jnp.float32)

    @pl.when(j > 0)
    def _stream_block():
        jj = j - 1
        rb = jj // 3
        m8 = mh_ref[:, pl.ds(8 * rb, 8), :]
        mrows = jnp.repeat(m8, PATCH, axis=1)
        prod = img_ref[:, 0] * mrows
        out_ref[...] = jnp.reshape(prod, (prod.shape[0], COLW))


def kernel(x, input_images):
    B, C = input_images.shape[0], input_images.shape[1]
    xr = x[:, :, 0, 1:]
    selm = _select_topk_sc(xr)

    def img_idx(jg):
        jj = jnp.maximum(jg - 1, 0)
        return (0, jj % C, jj // C, 0)

    def out_idx(jg):
        jj = jnp.maximum(jg - 1, 0)
        return (0, (jj % C) * NRB + jj // C)

    out = pl.pallas_call(
        _fix_kernel,
        grid=(1 + C * NRB,),
        in_specs=[
            pl.BlockSpec((B, NP_), lambda jg: (0, 0)),
            pl.BlockSpec((B, 1, RB, IMG), img_idx),
        ],
        out_specs=pl.BlockSpec((B, COLW), out_idx),
        out_shape=jax.ShapeDtypeStruct((B, C * IMG * IMG), jnp.float32),
        scratch_shapes=[pltpu.VMEM((B, FEAT, IMG), jnp.float32)],
    )(selm, input_images)
    return out

# --- scband reference (transcript-rebuilt; emitter-appended) ---
"""Pipeline reference for scband-fixation-48619029791083 (READ-ONLY COPY).

The authoritative reference and input builder live on the scoring server;
editing this copy changes nothing except your own understanding.
"""

import jax, jax.numpy as jnp
import numpy as np

IMG_SIZE = 384
PATCH = 16
FEAT = IMG_SIZE // PATCH  # 24
TOP = 0.5


def setup_inputs(seed: int = 0) -> dict:
    key = jax.random.key(seed)
    k1, k2 = jax.random.split(key)
    x = jax.random.normal(k1, (8, 12, 577, 577), dtype=jnp.float32)
    input_images = jax.random.uniform(k2, (8, 3, IMG_SIZE, IMG_SIZE), dtype=jnp.float32)
    return {"x": x, "input_images": input_images}


def reference(x, input_images):
    B, NH = x.shape[0], x.shape[1]
    C, W, H = input_images.shape[1], input_images.shape[2], input_images.shape[3]
    w, h = W // PATCH, H // PATCH
    num_patches = w * h
    # CLS-token attention over patch tokens, summed across heads
    attentions = x[:, :, 0, 1:].reshape(B, NH, -1)
    attentions = jnp.sum(attentions, axis=1)  # [B, num_patches]
    # torch.sort(descending=True) -> take top fraction of patch indices
    idx = jnp.argsort(-attentions, axis=-1)
    cutoff_length = int(TOP * num_patches)
    selected_idx = idx[:, :cutoff_length]  # [B, cutoff]
    # Patch index p maps to pixel block (p // FEAT * PATCH, p % FEAT * PATCH).
    # The torch nested loops copy selected patches from input into zeros ==
    # multiply image by a binary patch mask.
    mask = jnp.zeros((B, FEAT * FEAT), dtype=input_images.dtype)
    mask = mask.at[jnp.arange(B)[:, None], selected_idx].set(1.0)
    mask2d = mask.reshape(B, FEAT, FEAT)
    mask_img = jnp.repeat(jnp.repeat(mask2d, PATCH, axis=1), PATCH, axis=2)  # [B, W, H]
    output = input_images * mask_img[:, None, :, :]
    return output.reshape(B, -1)

if __name__ == "__main__":
    import jax
    _d = setup_inputs()
    print(jax.jit(kernel)(*tuple(_d.values())))

</pallas_src>

<mosaic_0001>
#map = affine_map<(d0, d1) -> (0, 0, 0)>
#map1 = affine_map<(d0, d1) -> (0, 0)>
module attributes {stable_mosaic.version = 14 : i64} {
  func.func @_sel_sc_body(%arg0: i32, %arg1: i32, %arg2: memref<8x12x576xf32, #tpu.memory_space<hbm>>, %arg3: memref<8x576xf32, #tpu.memory_space<hbm>>, %arg4: memref<12x576xf32, #tpu.memory_space<vmem>>, %arg5: memref<576xi32, #tpu.memory_space<vmem>>, %arg6: memref<576xf32, #tpu.memory_space<vmem>>) attributes {dimension_semantics = [#tpu.dimension_semantics<core_parallel>, #tpu.dimension_semantics<subcore_parallel>], iteration_bounds = array<i64: 2, 16>, scalar_prefetch = 0 : i64, scratch_operands = 3 : i64, tpu.core_type = #tpu.core_type<sc_vector_subcore>, window_params = [{transform_indices = #map}, {transform_indices = #map1}]} {
    %mul3A = arith.constant 2 : i32
    %mul3A_0 = arith.muli %arg1, %mul3A : i32
    %add3A = arith.addi %mul3A_0, %arg0 : i32
    %lt3A = arith.constant 8 : i32
    %lt3A_1 = arith.cmpi slt, %add3A, %lt3A : i32
    %convert_element_type3A = arith.extui %lt3A_1 : i1 to i32
    %cond3A = arith.constant 0 : i32
    %cond3A_2 = arith.cmpi ne, %convert_element_type3A, %cond3A : i32
    scf.if %cond3A_2 {
      "tpu.region"() ({
        %run_scoped3A = tpu.sem_alloc : memref<!tpu.dma_semaphore, #tpu.memory_space<semaphore_mem>>
        %dma_start3A = arith.constant 0 : i32
        %dma_start3A_83 = arith.constant 0 : i32
        %dma_start3A_84 = tpu.memref_slice %arg2[%add3A, %dma_start3A, %dma_start3A_83] : memref<8x12x576xf32, #tpu.memory_space<hbm>> -> memref<1x12x576xf32, #tpu.memory_space<hbm>>
        %dma_start3A_85 = tpu.memref_squeeze %dma_start3A_84 : memref<1x12x576xf32, #tpu.memory_space<hbm>> -> memref<12x576xf32, #tpu.memory_space<hbm>>
        %dma_start3A_86 = arith.constant 0 : i32
        %dma_start3A_87 = arith.constant 0 : i32
        %dma_start3A_88 = tpu.memref_slice %arg2[%add3A, %dma_start3A_86, %dma_start3A_87] : memref<8x12x576xf32, #tpu.memory_space<hbm>> -> memref<1x12x576xf32, #tpu.memory_space<hbm>>
        %dma_start3A_89 = tpu.memref_squeeze %dma_start3A_88 : memref<1x12x576xf32, #tpu.memory_space<hbm>> -> memref<12x576xf32, #tpu.memory_space<hbm>>
        tpu.enqueue_dma source(%dma_start3A_89 : memref<12x576xf32, #tpu.memory_space<hbm>>) target(%arg4 : memref<12x576xf32, #tpu.memory_space<vmem>>) target_semaphore(%run_scoped3A : memref<!tpu.dma_semaphore, #tpu.memory_space<semaphore_mem>>)
        %dma_wait3A = arith.constant 0 : i32
        %dma_wait3A_90 = arith.constant 0 : i32
        %dma_wait3A_91 = tpu.memref_slice %arg2[%add3A, %dma_wait3A, %dma_wait3A_90] : memref<8x12x576xf32, #tpu.memory_space<hbm>> -> memref<1x12x576xf32, #tpu.memory_space<hbm>>
        %dma_wait3A_92 = tpu.memref_squeeze %dma_wait3A_91 : memref<1x12x576xf32, #tpu.memory_space<hbm>> -> memref<12x576xf32, #tpu.memory_space<hbm>>
        %dma_wait3A_93 = arith.constant 0 : i32
        %dma_wait3A_94 = arith.constant 0 : i32
        %dma_wait3A_95 = tpu.memref_slice %arg2[%add3A, %dma_wait3A_93, %dma_wait3A_94] : memref<8x12x576xf32, #tpu.memory_space<hbm>> -> memref<1x12x576xf32, #tpu.memory_space<hbm>>
        %dma_wait3A_96 = tpu.memref_squeeze %dma_wait3A_95 : memref<1x12x576xf32, #tpu.memory_space<hbm>> -> memref<12x576xf32, #tpu.memory_space<hbm>>
        tpu.wait_dma2 semaphore(%run_scoped3A : memref<!tpu.dma_semaphore, #tpu.memory_space<semaphore_mem>>) src(%dma_wait3A_96 : memref<12x576xf32, #tpu.memory_space<hbm>>) dst(%arg4 : memref<12x576xf32, #tpu.memory_space<vmem>>)
        tpu.yield
      }) : () -> ()
      %scan3A = arith.constant 0 : i32
      %scan3A_3 = arith.constant 0 : i32
      %scan3A_4 = arith.constant 36 : i32
      %scan3A_5 = arith.addi %scan3A_3, %scan3A_4 : i32
      %scan3A_6 = arith.constant 1 : i32
      scf.for %scan3A_83 = %scan3A_3 to %scan3A_5 step %scan3A_6  : i32 {
        %mul3A_84 = arith.constant 16 : i32
        %mul3A_85 = arith.muli %scan3A_83, %mul3A_84 : i32
        %get3A = arith.constant 0 : i32
        %get3A_86 = arith.index_cast %get3A : i32 to index
        %get3A_87 = arith.index_cast %mul3A_85 : i32 to index
        %get3A_88 = tpu.vector_load %arg4[%get3A_86, %get3A_87] {strides = array<i32>} : memref<12x576xf32, #tpu.memory_space<vmem>>, vector<1x16xf32>,
        %get3A_89 = vector.shape_cast %get3A_88 : vector<1x16xf32> to vector<16xf32>
        %mul3A_90 = arith.constant 16 : i32
        %mul3A_91 = arith.muli %scan3A_83, %mul3A_90 : i32
        %get3A_92 = arith.constant 1 : i32
        %get3A_93 = arith.index_cast %get3A_92 : i32 to index
        %get3A_94 = arith.index_cast %mul3A_91 : i32 to index
        %get3A_95 = tpu.vector_load %arg4[%get3A_93, %get3A_94] {strides = array<i32>} : memref<12x576xf32, #tpu.memory_space<vmem>>, vector<1x16xf32>,
        %get3A_96 = vector.shape_cast %get3A_95 : vector<1x16xf32> to vector<16xf32>
        %add3A_97 = arith.addf %get3A_89, %get3A_96 : vector<16xf32>
        %mul3A_98 = arith.constant 16 : i32
        %mul3A_99 = arith.muli %scan3A_83, %mul3A_98 : i32
        %get3A_100 = arith.constant 2 : i32
        %get3A_101 = arith.index_cast %get3A_100 : i32 to index
        %get3A_102 = arith.index_cast %mul3A_99 : i32 to index
        %get3A_103 = tpu.vector_load %arg4[%get3A_101, %get3A_102] {strides = array<i32>} : memref<12x576xf32, #tpu.memory_space<vmem>>, vector<1x16xf32>,
        %get3A_104 = vector.shape_cast %get3A_103 : vector<1x16xf32> to vector<16xf32>
        %add3A_105 = arith.addf %add3A_97, %get3A_104 : vector<16xf32>
        %mul3A_106 = arith.constant 16 : i32
        %mul3A_107 = arith.muli %scan3A_83, %mul3A_106 : i32
        %get3A_108 = arith.constant 3 : i32
        %get3A_109 = arith.index_cast %get3A_108 : i32 to index
        %get3A_110 = arith.index_cast %mul3A_107 : i32 to index
        %get3A_111 = tpu.vector_load %arg4[%get3A_109, %get3A_110] {strides = array<i32>} : memref<12x576xf32, #tpu.memory_space<vmem>>, vector<1x16xf32>,
        %get3A_112 = vector.shape_cast %get3A_111 : vector<1x16xf32> to vector<16xf32>
        %add3A_113 = arith.addf %add3A_105, %get3A_112 : vector<16xf32>
        %mul3A_114 = arith.constant 16 : i32
        %mul3A_115 = arith.muli %scan3A_83, %mul3A_114 : i32
        %get3A_116 = arith.constant 4 : i32
        %get3A_117 = arith.index_cast %get3A_116 : i32 to index
        %get3A_118 = arith.index_cast %mul3A_115 : i32 to index
        %get3A_119 = tpu.vector_load %arg4[%get3A_117, %get3A_118] {strides = array<i32>} : memref<12x576xf32, #tpu.memory_space<vmem>>, vector<1x16xf32>,
        %get3A_120 = vector.shape_cast %get3A_119 : vector<1x16xf32> to vector<16xf32>
        %add3A_121 = arith.addf %add3A_113, %get3A_120 : vector<16xf32>
        %mul3A_122 = arith.constant 16 : i32
        %mul3A_123 = arith.muli %scan3A_83, %mul3A_122 : i32
        %get3A_124 = arith.constant 5 : i32
        %get3A_125 = arith.index_cast %get3A_124 : i32 to index
        %get3A_126 = arith.index_cast %mul3A_123 : i32 to index
        %get3A_127 = tpu.vector_load %arg4[%get3A_125, %get3A_126] {strides = array<i32>} : memref<12x576xf32, #tpu.memory_space<vmem>>, vector<1x16xf32>,
        %get3A_128 = vector.shape_cast %get3A_127 : vector<1x16xf32> to vector<16xf32>
        %add3A_129 = arith.addf %add3A_121, %get3A_128 : vector<16xf32>
        %mul3A_130 = arith.constant 16 : i32
        %mul3A_131 = arith.muli %scan3A_83, %mul3A_130 : i32
        %get3A_132 = arith.constant 6 : i32
        %get3A_133 = arith.index_cast %get3A_132 : i32 to index
        %get3A_134 = arith.index_cast %mul3A_131 : i32 to index
        %get3A_135 = tpu.vector_load %arg4[%get3A_133, %get3A_134] {strides = array<i32>} : memref<12x576xf32, #tpu.memory_space<vmem>>, vector<1x16xf32>,
        %get3A_136 = vector.shape_cast %get3A_135 : vector<1x16xf32> to vector<16xf32>
        %add3A_137 = arith.addf %add3A_129, %get3A_136 : vector<16xf32>
        %mul3A_138 = arith.constant 16 : i32
        %mul3A_139 = arith.muli %scan3A_83, %mul3A_138 : i32
        %get3A_140 = arith.constant 7 : i32
        %get3A_141 = arith.index_cast %get3A_140 : i32 to index
        %get3A_142 = arith.index_cast %mul3A_139 : i32 to index
        %get3A_143 = tpu.vector_load %arg4[%get3A_141, %get3A_142] {strides = array<i32>} : memref<12x576xf32, #tpu.memory_space<vmem>>, vector<1x16xf32>,
        %get3A_144 = vector.shape_cast %get3A_143 : vector<1x16xf32> to vector<16xf32>
        %add3A_145 = arith.addf %add3A_137, %get3A_144 : vector<16xf32>
        %mul3A_146 = arith.constant 16 : i32
        %mul3A_147 = arith.muli %scan3A_83, %mul3A_146 : i32
        %get3A_148 = arith.constant 8 : i32
        %get3A_149 = arith.index_cast %get3A_148 : i32 to index
        %get3A_150 = arith.index_cast %mul3A_147 : i32 to index
        %get3A_151 = tpu.vector_load %arg4[%get3A_149, %get3A_150] {strides = array<i32>} : memref<12x576xf32, #tpu.memory_space<vmem>>, vector<1x16xf32>,
        %get3A_152 = vector.shape_cast %get3A_151 : vector<1x16xf32> to vector<16xf32>
        %add3A_153 = arith.addf %add3A_145, %get3A_152 : vector<16xf32>
        %mul3A_154 = arith.constant 16 : i32
        %mul3A_155 = arith.muli %scan3A_83, %mul3A_154 : i32
        %get3A_156 = arith.constant 9 : i32
        %get3A_157 = arith.index_cast %get3A_156 : i32 to index
        %get3A_158 = arith.index_cast %mul3A_155 : i32 to index
        %get3A_159 = tpu.vector_load %arg4[%get3A_157, %get3A_158] {strides = array<i32>} : memref<12x576xf32, #tpu.memory_space<vmem>>, vector<1x16xf32>,
        %get3A_160 = vector.shape_cast %get3A_159 : vector<1x16xf32> to vector<16xf32>
        %add3A_161 = arith.addf %add3A_153, %get3A_160 : vector<16xf32>
        %mul3A_162 = arith.constant 16 : i32
        %mul3A_163 = arith.muli %scan3A_83, %mul3A_162 : i32
        %get3A_164 = arith.constant 10 : i32
        %get3A_165 = arith.index_cast %get3A_164 : i32 to index
        %get3A_166 = arith.index_cast %mul3A_163 : i32 to index
        %get3A_167 = tpu.vector_load %arg4[%get3A_165, %get3A_166] {strides = array<i32>} : memref<12x576xf32, #tpu.memory_space<vmem>>, vector<1x16xf32>,
        %get3A_168 = vector.shape_cast %get3A_167 : vector<1x16xf32> to vector<16xf32>
        %add3A_169 = arith.addf %add3A_161, %get3A_168 : vector<16xf32>
        %mul3A_170 = arith.constant 16 : i32
        %mul3A_171 = arith.muli %scan3A_83, %mul3A_170 : i32
        %get3A_172 = arith.constant 11 : i32
        %get3A_173 = arith.index_cast %get3A_172 : i32 to index
        %get3A_174 = arith.index_cast %mul3A_171 : i32 to index
        %get3A_175 = tpu.vector_load %arg4[%get3A_173, %get3A_174] {strides = array<i32>} : memref<12x576xf32, #tpu.memory_space<vmem>>, vector<1x16xf32>,
        %get3A_176 = vector.shape_cast %get3A_175 : vector<1x16xf32> to vector<16xf32>
        %add3A_177 = arith.addf %add3A_169, %get3A_176 : vector<16xf32>
        %bitcast_convert_type3A = tpu.bitcast %add3A_177 : vector<16xf32> -> vector<16xi32>
        %lt3A_178 = arith.constant 0 : i32
        %lt3A_179 = vector.broadcast %lt3A_178 : i32 to vector<16xi32>
        %lt3A_180 = arith.cmpi slt, %bitcast_convert_type3A, %lt3A_179 : vector<16xi32>
        %sub3A_181 = arith.constant -2147483648 : i32
        %sub3A_182 = vector.broadcast %sub3A_181 : i32 to vector<16xi32>
        %sub3A_183 = arith.subi %sub3A_182, %bitcast_convert_type3A : vector<16xi32>
        %select_n3A = arith.select %lt3A_180, %sub3A_183, %bitcast_convert_type3A : vector<16xi1>, vector<16xi32>
        %xor3A = arith.constant -2147483648 : i32
        %xor3A_184 = vector.broadcast %xor3A : i32 to vector<16xi32>
        %xor3A_185 = arith.xori %select_n3A, %xor3A_184 : vector<16xi32>
        %bitcast_convert_type3A_186 = tpu.bitcast %xor3A_185 : vector<16xi32> -> vector<16xi32>
        %mul3A_187 = arith.constant 16 : i32
        %mul3A_188 = arith.muli %scan3A_83, %mul3A_187 : i32
        %swap3A = arith.index_cast %mul3A_188 : i32 to index
        %swap3A_189 = tpu.vector_load %arg5[%swap3A] {strides = array<i32>} : memref<576xi32, #tpu.memory_space<vmem>>, vector<16xi32>,
        %swap3A_190 = vector.shape_cast %swap3A_189 : vector<16xi32> to vector<16xi32>
        %swap3A_191 = vector.shape_cast %bitcast_convert_type3A_186 : vector<16xi32> to vector<16xi32>
        tpu.vector_store %arg5[%swap3A], %swap3A_191 {strides = array<i32>} : memref<576xi32, #tpu.memory_space<vmem>>, vector<16xi32>,
      }
      %scan3A_7 = arith.constant 36 : i32
      %scan3A_8 = arith.constant 1 : i32
      %scan3A_9 = arith.constant 0 : i32
      %scan3A_10 = arith.constant 0 : i32
      %scan3A_11 = arith.constant -2147483648 : i32
      %scan3A_12 = arith.constant 0 : i32
      %scan3A_13 = arith.constant 32 : i32
      %scan3A_14 = arith.addi %scan3A_12, %scan3A_13 : i32
      %scan3A_15 = arith.constant 1 : i32
      %scan3A_16:2 = scf.for %scan3A_83 = %scan3A_12 to %scan3A_14 step %scan3A_15 iter_args(%scan3A_84 = %scan3A_10, %scan3A_85 = %scan3A_11) -> (i32, i32)  : i32 {
        %or3A = arith.ori %scan3A_84, %scan3A_85 : i32
        %broadcast_in_dim3A_86 = vector.broadcast %or3A : i32 to vector<16xi32>
        %broadcast_in_dim3A_87 = arith.constant 0 : i32
        %broadcast_in_dim3A_88 = vector.broadcast %broadcast_in_dim3A_87 : i32 to vector<16xi32>
        %scan3A_89 = arith.constant 0 : i32
        %scan3A_90 = arith.constant 9 : i32
        %scan3A_91 = arith.addi %scan3A_89, %scan3A_90 : i32
        %scan3A_92 = arith.constant 1 : i32
        %scan3A_93 = scf.for %scan3A_144 = %scan3A_89 to %scan3A_91 step %scan3A_92 iter_args(%scan3A_145 = %broadcast_in_dim3A_88) -> (vector<16xi32>)  : i32 {
          %mul3A_146 = arith.constant 4 : i32
          %mul3A_147 = arith.muli %scan3A_144, %mul3A_146 : i32
          %add3A_148 = arith.constant 0 : i32
          %add3A_149 = arith.addi %mul3A_147, %add3A_148 : i32
          %mul3A_150 = arith.constant 16 : i32
          %mul3A_151 = arith.muli %add3A_149, %mul3A_150 : i32
          %get3A = arith.index_cast %mul3A_151 : i32 to index
          %get3A_152 = tpu.vector_load %arg5[%get3A] {strides = array<i32>} : memref<576xi32, #tpu.memory_space<vmem>>, vector<16xi32>,
          %get3A_153 = vector.shape_cast %get3A_152 : vector<16xi32> to vector<16xi32>
          %ge3A_154 = arith.cmpi uge, %get3A_153, %broadcast_in_dim3A_86 : vector<16xi32>
          %broadcast_in_dim3A_155 = vector.broadcast %scan3A_8 : i32 to vector<16xi32>
          %broadcast_in_dim3A_156 = vector.broadcast %scan3A_9 : i32 to vector<16xi32>
          %select_n3A_157 = arith.select %ge3A_154, %broadcast_in_dim3A_155, %broadcast_in_dim3A_156 : vector<16xi1>, vector<16xi32>
          %add3A_158 = arith.addi %scan3A_145, %select_n3A_157 : vector<16xi32>
          %mul3A_159 = arith.constant 4 : i32
          %mul3A_160 = arith.muli %scan3A_144, %mul3A_159 : i32
          %add3A_161 = arith.constant 1 : i32
          %add3A_162 = arith.addi %mul3A_160, %add3A_161 : i32
          %mul3A_163 = arith.constant 16 : i32
          %mul3A_164 = arith.muli %add3A_162, %mul3A_163 : i32
          %get3A_165 = arith.index_cast %mul3A_164 : i32 to index
          %get3A_166 = tpu.vector_load %arg5[%get3A_165] {strides = array<i32>} : memref<576xi32, #tpu.memory_space<vmem>>, vector<16xi32>,
          %get3A_167 = vector.shape_cast %get3A_166 : vector<16xi32> to vector<16xi32>
          %ge3A_168 = arith.cmpi uge, %get3A_167, %broadcast_in_dim3A_86 : vector<16xi32>
          %broadcast_in_dim3A_169 = vector.broadcast %scan3A_8 : i32 to vector<16xi32>
          %broadcast_in_dim3A_170 = vector.broadcast %scan3A_9 : i32 to vector<16xi32>
          %select_n3A_171 = arith.select %ge3A_168, %broadcast_in_dim3A_169, %broadcast_in_dim3A_170 : vector<16xi1>, vector<16xi32>
          %add3A_172 = arith.addi %add3A_158, %select_n3A_171 : vector<16xi32>
          %mul3A_173 = arith.constant 4 : i32
          %mul3A_174 = arith.muli %scan3A_144, %mul3A_173 : i32
          %add3A_175 = arith.constant 2 : i32
          %add3A_176 = arith.addi %mul3A_174, %add3A_175 : i32
          %mul3A_177 = arith.constant 16 : i32
          %mul3A_178 = arith.muli %add3A_176, %mul3A_177 : i32
          %get3A_179 = arith.index_cast %mul3A_178 : i32 to index
          %get3A_180 = tpu.vector_load %arg5[%get3A_179] {strides = array<i32>} : memref<576xi32, #tpu.memory_space<vmem>>, vector<16xi32>,
          %get3A_181 = vector.shape_cast %get3A_180 : vector<16xi32> to vector<16xi32>
          %ge3A_182 = arith.cmpi uge, %get3A_181, %broadcast_in_dim3A_86 : vector<16xi32>
          %broadcast_in_dim3A_183 = vector.broadcast %scan3A_8 : i32 to vector<16xi32>
          %broadcast_in_dim3A_184 = vector.broadcast %scan3A_9 : i32 to vector<16xi32>
          %select_n3A_185 = arith.select %ge3A_182, %broadcast_in_dim3A_183, %broadcast_in_dim3A_184 : vector<16xi1>, vector<16xi32>
          %add3A_186 = arith.addi %add3A_172, %select_n3A_185 : vector<16xi32>
          %mul3A_187 = arith.constant 4 : i32
          %mul3A_188 = arith.muli %scan3A_144, %mul3A_187 : i32
          %add3A_189 = arith.constant 3 : i32
          %add3A_190 = arith.addi %mul3A_188, %add3A_189 : i32
          %mul3A_191 = arith.constant 16 : i32
          %mul3A_192 = arith.muli %add3A_190, %mul3A_191 : i32
          %get3A_193 = arith.index_cast %mul3A_192 : i32 to index
          %get3A_194 = tpu.vector_load %arg5[%get3A_193] {strides = array<i32>} : memref<576xi32, #tpu.memory_space<vmem>>, vector<16xi32>,
          %get3A_195 = vector.shape_cast %get3A_194 : vector<16xi32> to vector<16xi32>
          %ge3A_196 = arith.cmpi uge, %get3A_195, %broadcast_in_dim3A_86 : vector<16xi32>
          %broadcast_in_dim3A_197 = vector.broadcast %scan3A_8 : i32 to vector<16xi32>
          %broadcast_in_dim3A_198 = vector.broadcast %scan3A_9 : i32 to vector<16xi32>
          %select_n3A_199 = arith.select %ge3A_196, %broadcast_in_dim3A_197, %broadcast_in_dim3A_198 : vector<16xi1>, vector<16xi32>
          %add3A_200 = arith.addi %add3A_186, %select_n3A_199 : vector<16xi32>
          scf.yield %add3A_200 : vector<16xi32>
        }
        %scan3A_94 = arith.constant 9 : i32
        %slice3A_95 = vector.extract_strided_slice %scan3A_93 {offsets = [0], sizes = [1], strides = [1]} : vector<16xi32> to vector<1xi32>
        %squeeze3A_96 = vector.extract %slice3A_95[0] : i32 from vector<1xi32>
        %slice3A_97 = vector.extract_strided_slice %scan3A_93 {offsets = [1], sizes = [1], strides = [1]} : vector<16xi32> to vector<1xi32>
        %squeeze3A_98 = vector.extract %slice3A_97[0] : i32 from vector<1xi32>
        %slice3A_99 = vector.extract_strided_slice %scan3A_93 {offsets = [2], sizes = [1], strides = [1]} : vector<16xi32> to vector<1xi32>
        %squeeze3A_100 = vector.extract %slice3A_99[0] : i32 from vector<1xi32>
        %slice3A_101 = vector.extract_strided_slice %scan3A_93 {offsets = [3], sizes = [1], strides = [1]} : vector<16xi32> to vector<1xi32>
        %squeeze3A_102 = vector.extract %slice3A_101[0] : i32 from vector<1xi32>
        %slice3A_103 = vector.extract_strided_slice %scan3A_93 {offsets = [4], sizes = [1], strides = [1]} : vector<16xi32> to vector<1xi32>
        %squeeze3A_104 = vector.extract %slice3A_103[0] : i32 from vector<1xi32>
        %slice3A_105 = vector.extract_strided_slice %scan3A_93 {offsets = [5], sizes = [1], strides = [1]} : vector<16xi32> to vector<1xi32>
        %squeeze3A_106 = vector.extract %slice3A_105[0] : i32 from vector<1xi32>
        %slice3A_107 = vector.extract_strided_slice %scan3A_93 {offsets = [6], sizes = [1], strides = [1]} : vector<16xi32> to vector<1xi32>
        %squeeze3A_108 = vector.extract %slice3A_107[0] : i32 from vector<1xi32>
        %slice3A_109 = vector.extract_strided_slice %scan3A_93 {offsets = [7], sizes = [1], strides = [1]} : vector<16xi32> to vector<1xi32>
        %squeeze3A_110 = vector.extract %slice3A_109[0] : i32 from vector<1xi32>
        %slice3A_111 = vector.extract_strided_slice %scan3A_93 {offsets = [8], sizes = [1], strides = [1]} : vector<16xi32> to vector<1xi32>
        %squeeze3A_112 = vector.extract %slice3A_111[0] : i32 from vector<1xi32>
        %slice3A_113 = vector.extract_strided_slice %scan3A_93 {offsets = [9], sizes = [1], strides = [1]} : vector<16xi32> to vector<1xi32>
        %squeeze3A_114 = vector.extract %slice3A_113[0] : i32 from vector<1xi32>
        %slice3A_115 = vector.extract_strided_slice %scan3A_93 {offsets = [10], sizes = [1], strides = [1]} : vector<16xi32> to vector<1xi32>
        %squeeze3A_116 = vector.extract %slice3A_115[0] : i32 from vector<1xi32>
        %slice3A_117 = vector.extract_strided_slice %scan3A_93 {offsets = [11], sizes = [1], strides = [1]} : vector<16xi32> to vector<1xi32>
        %squeeze3A_118 = vector.extract %slice3A_117[0] : i32 from vector<1xi32>
        %slice3A_119 = vector.extract_strided_slice %scan3A_93 {offsets = [12], sizes = [1], strides = [1]} : vector<16xi32> to vector<1xi32>
        %squeeze3A_120 = vector.extract %slice3A_119[0] : i32 from vector<1xi32>
        %slice3A_121 = vector.extract_strided_slice %scan3A_93 {offsets = [13], sizes = [1], strides = [1]} : vector<16xi32> to vector<1xi32>
        %squeeze3A_122 = vector.extract %slice3A_121[0] : i32 from vector<1xi32>
        %slice3A_123 = vector.extract_strided_slice %scan3A_93 {offsets = [14], sizes = [1], strides = [1]} : vector<16xi32> to vector<1xi32>
        %squeeze3A_124 = vector.extract %slice3A_123[0] : i32 from vector<1xi32>
        %slice3A_125 = vector.extract_strided_slice %scan3A_93 {offsets = [15], sizes = [1], strides = [1]} : vector<16xi32> to vector<1xi32>
        %squeeze3A_126 = vector.extract %slice3A_125[0] : i32 from vector<1xi32>
        %add3A_127 = arith.addi %squeeze3A_96, %squeeze3A_98 : i32
        %add3A_128 = arith.addi %squeeze3A_100, %squeeze3A_102 : i32
        %add3A_129 = arith.addi %squeeze3A_104, %squeeze3A_106 : i32
        %add3A_130 = arith.addi %squeeze3A_108, %squeeze3A_110 : i32
        %add3A_131 = arith.addi %squeeze3A_112, %squeeze3A_114 : i32
        %add3A_132 = arith.addi %squeeze3A_116, %squeeze3A_118 : i32
        %add3A_133 = arith.addi %squeeze3A_120, %squeeze3A_122 : i32
        %add3A_134 = arith.addi %squeeze3A_124, %squeeze3A_126 : i32
        %add3A_135 = arith.addi %add3A_127, %add3A_128 : i32
        %add3A_136 = arith.addi %add3A_129, %add3A_130 : i32
        %add3A_137 = arith.addi %add3A_131, %add3A_132 : i32
        %add3A_138 = arith.addi %add3A_133, %add3A_134 : i32
        %add3A_139 = arith.addi %add3A_135, %add3A_136 : i32
        %add3A_140 = arith.addi %add3A_137, %add3A_138 : i32
        %add3A_141 = arith.addi %add3A_139, %add3A_140 : i32
        %ge3A = arith.constant 288 : i32
        %ge3A_142 = arith.cmpi sge, %add3A_141, %ge3A : i32
        %select_n3A = arith.select %ge3A_142, %or3A, %scan3A_84 : i32
        %shift_right_logical3A = arith.constant 1 : i32
        %shift_right_logical3A_143 = arith.shrui %scan3A_85, %shift_right_logical3A : i32
        scf.yield %select_n3A, %shift_right_logical3A_143 : i32, i32
      }
      %scan3A_17 = arith.constant 32 : i32
      %broadcast_in_dim3A = vector.broadcast %scan3A_16#0 : i32 to vector<16xi32>
      %broadcast_in_dim3A_18 = arith.constant 0 : i32
      %broadcast_in_dim3A_19 = vector.broadcast %broadcast_in_dim3A_18 : i32 to vector<16xi32>
      %scan3A_20 = arith.constant 1 : i32
      %scan3A_21 = arith.constant 0 : i32
      %scan3A_22 = arith.constant 0 : i32
      %scan3A_23 = arith.constant 9 : i32
      %scan3A_24 = arith.addi %scan3A_22, %scan3A_23 : i32
      %scan3A_25 = arith.constant 1 : i32
      %scan3A_26 = scf.for %scan3A_83 = %scan3A_22 to %scan3A_24 step %scan3A_25 iter_args(%scan3A_84 = %broadcast_in_dim3A_19) -> (vector<16xi32>)  : i32 {
        %mul3A_85 = arith.constant 4 : i32
        %mul3A_86 = arith.muli %scan3A_83, %mul3A_85 : i32
        %add3A_87 = arith.constant 0 : i32
        %add3A_88 = arith.addi %mul3A_86, %add3A_87 : i32
        %mul3A_89 = arith.constant 16 : i32
        %mul3A_90 = arith.muli %add3A_88, %mul3A_89 : i32
        %get3A = arith.index_cast %mul3A_90 : i32 to index
        %get3A_91 = tpu.vector_load %arg5[%get3A] {strides = array<i32>} : memref<576xi32, #tpu.memory_space<vmem>>, vector<16xi32>,
        %get3A_92 = vector.shape_cast %get3A_91 : vector<16xi32> to vector<16xi32>
        %gt3A = arith.cmpi ugt, %get3A_92, %broadcast_in_dim3A : vector<16xi32>
        %broadcast_in_dim3A_93 = vector.broadcast %scan3A_20 : i32 to vector<16xi32>
        %broadcast_in_dim3A_94 = vector.broadcast %scan3A_21 : i32 to vector<16xi32>
        %select_n3A = arith.select %gt3A, %broadcast_in_dim3A_93, %broadcast_in_dim3A_94 : vector<16xi1>, vector<16xi32>
        %add3A_95 = arith.addi %scan3A_84, %select_n3A : vector<16xi32>
        %mul3A_96 = arith.constant 4 : i32
        %mul3A_97 = arith.muli %scan3A_83, %mul3A_96 : i32
        %add3A_98 = arith.constant 1 : i32
        %add3A_99 = arith.addi %mul3A_97, %add3A_98 : i32
        %mul3A_100 = arith.constant 16 : i32
        %mul3A_101 = arith.muli %add3A_99, %mul3A_100 : i32
        %get3A_102 = arith.index_cast %mul3A_101 : i32 to index
        %get3A_103 = tpu.vector_load %arg5[%get3A_102] {strides = array<i32>} : memref<576xi32, #tpu.memory_space<vmem>>, vector<16xi32>,
        %get3A_104 = vector.shape_cast %get3A_103 : vector<16xi32> to vector<16xi32>
        %gt3A_105 = arith.cmpi ugt, %get3A_104, %broadcast_in_dim3A : vector<16xi32>
        %broadcast_in_dim3A_106 = vector.broadcast %scan3A_20 : i32 to vector<16xi32>
        %broadcast_in_dim3A_107 = vector.broadcast %scan3A_21 : i32 to vector<16xi32>
        %select_n3A_108 = arith.select %gt3A_105, %broadcast_in_dim3A_106, %broadcast_in_dim3A_107 : vector<16xi1>, vector<16xi32>
        %add3A_109 = arith.addi %add3A_95, %select_n3A_108 : vector<16xi32>
        %mul3A_110 = arith.constant 4 : i32
        %mul3A_111 = arith.muli %scan3A_83, %mul3A_110 : i32
        %add3A_112 = arith.constant 2 : i32
        %add3A_113 = arith.addi %mul3A_111, %add3A_112 : i32
        %mul3A_114 = arith.constant 16 : i32
        %mul3A_115 = arith.muli %add3A_113, %mul3A_114 : i32
        %get3A_116 = arith.index_cast %mul3A_115 : i32 to index
        %get3A_117 = tpu.vector_load %arg5[%get3A_116] {strides = array<i32>} : memref<576xi32, #tpu.memory_space<vmem>>, vector<16xi32>,
        %get3A_118 = vector.shape_cast %get3A_117 : vector<16xi32> to vector<16xi32>
        %gt3A_119 = arith.cmpi ugt, %get3A_118, %broadcast_in_dim3A : vector<16xi32>
        %broadcast_in_dim3A_120 = vector.broadcast %scan3A_20 : i32 to vector<16xi32>
        %broadcast_in_dim3A_121 = vector.broadcast %scan3A_21 : i32 to vector<16xi32>
        %select_n3A_122 = arith.select %gt3A_119, %broadcast_in_dim3A_120, %broadcast_in_dim3A_121 : vector<16xi1>, vector<16xi32>
        %add3A_123 = arith.addi %add3A_109, %select_n3A_122 : vector<16xi32>
        %mul3A_124 = arith.constant 4 : i32
        %mul3A_125 = arith.muli %scan3A_83, %mul3A_124 : i32
        %add3A_126 = arith.constant 3 : i32
        %add3A_127 = arith.addi %mul3A_125, %add3A_126 : i32
        %mul3A_128 = arith.constant 16 : i32
        %mul3A_129 = arith.muli %add3A_127, %mul3A_128 : i32
        %get3A_130 = arith.index_cast %mul3A_129 : i32 to index
        %get3A_131 = tpu.vector_load %arg5[%get3A_130] {strides = array<i32>} : memref<576xi32, #tpu.memory_space<vmem>>, vector<16xi32>,
        %get3A_132 = vector.shape_cast %get3A_131 : vector<16xi32> to vector<16xi32>
        %gt3A_133 = arith.cmpi ugt, %get3A_132, %broadcast_in_dim3A : vector<16xi32>
        %broadcast_in_dim3A_134 = vector.broadcast %scan3A_20 : i32 to vector<16xi32>
        %broadcast_in_dim3A_135 = vector.broadcast %scan3A_21 : i32 to vector<16xi32>
        %select_n3A_136 = arith.select %gt3A_133, %broadcast_in_dim3A_134, %broadcast_in_dim3A_135 : vector<16xi1>, vector<16xi32>
        %add3A_137 = arith.addi %add3A_123, %select_n3A_136 : vector<16xi32>
        scf.yield %add3A_137 : vector<16xi32>
      }
      %scan3A_27 = arith.constant 9 : i32
      %slice3A = vector.extract_strided_slice %scan3A_26 {offsets = [0], sizes = [1], strides = [1]} : vector<16xi32> to vector<1xi32>
      %squeeze3A = vector.extract %slice3A[0] : i32 from vector<1xi32>
      %slice3A_28 = vector.extract_strided_slice %scan3A_26 {offsets = [1], sizes = [1], strides = [1]} : vector<16xi32> to vector<1xi32>
      %squeeze3A_29 = vector.extract %slice3A_28[0] : i32 from vector<1xi32>
      %slice3A_30 = vector.extract_strided_slice %scan3A_26 {offsets = [2], sizes = [1], strides = [1]} : vector<16xi32> to vector<1xi32>
      %squeeze3A_31 = vector.extract %slice3A_30[0] : i32 from vector<1xi32>
      %slice3A_32 = vector.extract_strided_slice %scan3A_26 {offsets = [3], sizes = [1], strides = [1]} : vector<16xi32> to vector<1xi32>
      %squeeze3A_33 = vector.extract %slice3A_32[0] : i32 from vector<1xi32>
      %slice3A_34 = vector.extract_strided_slice %scan3A_26 {offsets = [4], sizes = [1], strides = [1]} : vector<16xi32> to vector<1xi32>
      %squeeze3A_35 = vector.extract %slice3A_34[0] : i32 from vector<1xi32>
      %slice3A_36 = vector.extract_strided_slice %scan3A_26 {offsets = [5], sizes = [1], strides = [1]} : vector<16xi32> to vector<1xi32>
      %squeeze3A_37 = vector.extract %slice3A_36[0] : i32 from vector<1xi32>
      %slice3A_38 = vector.extract_strided_slice %scan3A_26 {offsets = [6], sizes = [1], strides = [1]} : vector<16xi32> to vector<1xi32>
      %squeeze3A_39 = vector.extract %slice3A_38[0] : i32 from vector<1xi32>
      %slice3A_40 = vector.extract_strided_slice %scan3A_26 {offsets = [7], sizes = [1], strides = [1]} : vector<16xi32> to vector<1xi32>
      %squeeze3A_41 = vector.extract %slice3A_40[0] : i32 from vector<1xi32>
      %slice3A_42 = vector.extract_strided_slice %scan3A_26 {offsets = [8], sizes = [1], strides = [1]} : vector<16xi32> to vector<1xi32>
      %squeeze3A_43 = vector.extract %slice3A_42[0] : i32 from vector<1xi32>
      %slice3A_44 = vector.extract_strided_slice %scan3A_26 {offsets = [9], sizes = [1], strides = [1]} : vector<16xi32> to vector<1xi32>
      %squeeze3A_45 = vector.extract %slice3A_44[0] : i32 from vector<1xi32>
      %slice3A_46 = vector.extract_strided_slice %scan3A_26 {offsets = [10], sizes = [1], strides = [1]} : vector<16xi32> to vector<1xi32>
      %squeeze3A_47 = vector.extract %slice3A_46[0] : i32 from vector<1xi32>
      %slice3A_48 = vector.extract_strided_slice %scan3A_26 {offsets = [11], sizes = [1], strides = [1]} : vector<16xi32> to vector<1xi32>
      %squeeze3A_49 = vector.extract %slice3A_48[0] : i32 from vector<1xi32>
      %slice3A_50 = vector.extract_strided_slice %scan3A_26 {offsets = [12], sizes = [1], strides = [1]} : vector<16xi32> to vector<1xi32>
      %squeeze3A_51 = vector.extract %slice3A_50[0] : i32 from vector<1xi32>
      %slice3A_52 = vector.extract_strided_slice %scan3A_26 {offsets = [13], sizes = [1], strides = [1]} : vector<16xi32> to vector<1xi32>
      %squeeze3A_53 = vector.extract %slice3A_52[0] : i32 from vector<1xi32>
      %slice3A_54 = vector.extract_strided_slice %scan3A_26 {offsets = [14], sizes = [1], strides = [1]} : vector<16xi32> to vector<1xi32>
      %squeeze3A_55 = vector.extract %slice3A_54[0] : i32 from vector<1xi32>
      %slice3A_56 = vector.extract_strided_slice %scan3A_26 {offsets = [15], sizes = [1], strides = [1]} : vector<16xi32> to vector<1xi32>
      %squeeze3A_57 = vector.extract %slice3A_56[0] : i32 from vector<1xi32>
      %add3A_58 = arith.addi %squeeze3A, %squeeze3A_29 : i32
      %add3A_59 = arith.addi %squeeze3A_31, %squeeze3A_33 : i32
      %add3A_60 = arith.addi %squeeze3A_35, %squeeze3A_37 : i32
      %add3A_61 = arith.addi %squeeze3A_39, %squeeze3A_41 : i32
      %add3A_62 = arith.addi %squeeze3A_43, %squeeze3A_45 : i32
      %add3A_63 = arith.addi %squeeze3A_47, %squeeze3A_49 : i32
      %add3A_64 = arith.addi %squeeze3A_51, %squeeze3A_53 : i32
      %add3A_65 = arith.addi %squeeze3A_55, %squeeze3A_57 : i32
      %add3A_66 = arith.addi %add3A_58, %add3A_59 : i32
      %add3A_67 = arith.addi %add3A_60, %add3A_61 : i32
      %add3A_68 = arith.addi %add3A_62, %add3A_63 : i32
      %add3A_69 = arith.addi %add3A_64, %add3A_65 : i32
      %add3A_70 = arith.addi %add3A_66, %add3A_67 : i32
      %add3A_71 = arith.addi %add3A_68, %add3A_69 : i32
      %add3A_72 = arith.addi %add3A_70, %add3A_71 : i32
      %sub3A = arith.constant 288 : i32
      %sub3A_73 = arith.subi %sub3A, %add3A_72 : i32
      %iota3A = tpu.iota {dimensions = array<i32: 0>} : vector<16xi32>
      %scan3A_74 = arith.constant 1 : i32
      %scan3A_75 = arith.constant 0 : i32
      %scan3A_76 = arith.constant 0 : i32
      %scan3A_77 = arith.constant 0 : i32
      %scan3A_78 = arith.constant 36 : i32
      %scan3A_79 = arith.addi %scan3A_77, %scan3A_78 : i32
      %scan3A_80 = arith.constant 1 : i32
      %scan3A_81 = scf.for %scan3A_83 = %scan3A_77 to %scan3A_79 step %scan3A_80 iter_args(%scan3A_84 = %scan3A_76) -> (i32)  : i32 {
        %mul3A_85 = arith.constant 16 : i32
        %mul3A_86 = arith.muli %scan3A_83, %mul3A_85 : i32
        %get3A = arith.index_cast %mul3A_86 : i32 to index
        %get3A_87 = tpu.vector_load %arg5[%get3A] {strides = array<i32>} : memref<576xi32, #tpu.memory_space<vmem>>, vector<16xi32>,
        %get3A_88 = vector.shape_cast %get3A_87 : vector<16xi32> to vector<16xi32>
        %gt3A = arith.cmpi ugt, %get3A_88, %broadcast_in_dim3A : vector<16xi32>
        %eq3A = arith.cmpi eq, %get3A_88, %broadcast_in_dim3A : vector<16xi32>
        %broadcast_in_dim3A_89 = vector.broadcast %scan3A_74 : i32 to vector<16xi32>
        %broadcast_in_dim3A_90 = vector.broadcast %scan3A_75 : i32 to vector<16xi32>
        %select_n3A = arith.select %eq3A, %broadcast_in_dim3A_89, %broadcast_in_dim3A_90 : vector<16xi1>, vector<16xi32>
        %slice3A_91 = vector.extract_strided_slice %select_n3A {offsets = [0], sizes = [1], strides = [1]} : vector<16xi32> to vector<1xi32>
        %squeeze3A_92 = vector.extract %slice3A_91[0] : i32 from vector<1xi32>
        %slice3A_93 = vector.extract_strided_slice %select_n3A {offsets = [1], sizes = [1], strides = [1]} : vector<16xi32> to vector<1xi32>
        %squeeze3A_94 = vector.extract %slice3A_93[0] : i32 from vector<1xi32>
        %slice3A_95 = vector.extract_strided_slice %select_n3A {offsets = [2], sizes = [1], strides = [1]} : vector<16xi32> to vector<1xi32>
        %squeeze3A_96 = vector.extract %slice3A_95[0] : i32 from vector<1xi32>
        %slice3A_97 = vector.extract_strided_slice %select_n3A {offsets = [3], sizes = [1], strides = [1]} : vector<16xi32> to vector<1xi32>
        %squeeze3A_98 = vector.extract %slice3A_97[0] : i32 from vector<1xi32>
        %slice3A_99 = vector.extract_strided_slice %select_n3A {offsets = [4], sizes = [1], strides = [1]} : vector<16xi32> to vector<1xi32>
        %squeeze3A_100 = vector.extract %slice3A_99[0] : i32 from vector<1xi32>
        %slice3A_101 = vector.extract_strided_slice %select_n3A {offsets = [5], sizes = [1], strides = [1]} : vector<16xi32> to vector<1xi32>
        %squeeze3A_102 = vector.extract %slice3A_101[0] : i32 from vector<1xi32>
        %slice3A_103 = vector.extract_strided_slice %select_n3A {offsets = [6], sizes = [1], strides = [1]} : vector<16xi32> to vector<1xi32>
        %squeeze3A_104 = vector.extract %slice3A_103[0] : i32 from vector<1xi32>
        %slice3A_105 = vector.extract_strided_slice %select_n3A {offsets = [7], sizes = [1], strides = [1]} : vector<16xi32> to vector<1xi32>
        %squeeze3A_106 = vector.extract %slice3A_105[0] : i32 from vector<1xi32>
        %slice3A_107 = vector.extract_strided_slice %select_n3A {offsets = [8], sizes = [1], strides = [1]} : vector<16xi32> to vector<1xi32>
        %squeeze3A_108 = vector.extract %slice3A_107[0] : i32 from vector<1xi32>
        %slice3A_109 = vector.extract_strided_slice %select_n3A {offsets = [9], sizes = [1], strides = [1]} : vector<16xi32> to vector<1xi32>
        %squeeze3A_110 = vector.extract %slice3A_109[0] : i32 from vector<1xi32>
        %slice3A_111 = vector.extract_strided_slice %select_n3A {offsets = [10], sizes = [1], strides = [1]} : vector<16xi32> to vector<1xi32>
        %squeeze3A_112 = vector.extract %slice3A_111[0] : i32 from vector<1xi32>
        %slice3A_113 = vector.extract_strided_slice %select_n3A {offsets = [11], sizes = [1], strides = [1]} : vector<16xi32> to vector<1xi32>
        %squeeze3A_114 = vector.extract %slice3A_113[0] : i32 from vector<1xi32>
        %slice3A_115 = vector.extract_strided_slice %select_n3A {offsets = [12], sizes = [1], strides = [1]} : vector<16xi32> to vector<1xi32>
        %squeeze3A_116 = vector.extract %slice3A_115[0] : i32 from vector<1xi32>
        %slice3A_117 = vector.extract_strided_slice %select_n3A {offsets = [13], sizes = [1], strides = [1]} : vector<16xi32> to vector<1xi32>
        %squeeze3A_118 = vector.extract %slice3A_117[0] : i32 from vector<1xi32>
        %slice3A_119 = vector.extract_strided_slice %select_n3A {offsets = [14], sizes = [1], strides = [1]} : vector<16xi32> to vector<1xi32>
        %squeeze3A_120 = vector.extract %slice3A_119[0] : i32 from vector<1xi32>
        %slice3A_121 = vector.extract_strided_slice %select_n3A {offsets = [15], sizes = [1], strides = [1]} : vector<16xi32> to vector<1xi32>
        %squeeze3A_122 = vector.extract %slice3A_121[0] : i32 from vector<1xi32>
        %add3A_123 = arith.addi %squeeze3A_92, %squeeze3A_94 : i32
        %add3A_124 = arith.addi %squeeze3A_96, %squeeze3A_98 : i32
        %add3A_125 = arith.addi %squeeze3A_100, %squeeze3A_102 : i32
        %add3A_126 = arith.addi %squeeze3A_104, %squeeze3A_106 : i32
        %add3A_127 = arith.addi %squeeze3A_108, %squeeze3A_110 : i32
        %add3A_128 = arith.addi %squeeze3A_112, %squeeze3A_114 : i32
        %add3A_129 = arith.addi %squeeze3A_116, %squeeze3A_118 : i32
        %add3A_130 = arith.addi %squeeze3A_120, %squeeze3A_122 : i32
        %add3A_131 = arith.addi %add3A_123, %add3A_124 : i32
        %add3A_132 = arith.addi %add3A_125, %add3A_126 : i32
        %add3A_133 = arith.addi %add3A_127, %add3A_128 : i32
        %add3A_134 = arith.addi %add3A_129, %add3A_130 : i32
        %add3A_135 = arith.addi %add3A_131, %add3A_132 : i32
        %add3A_136 = arith.addi %add3A_133, %add3A_134 : i32
        %add3A_137 = arith.addi %add3A_135, %add3A_136 : i32
        %gt3A_138 = arith.constant 0 : i32
        %gt3A_139 = arith.cmpi sgt, %add3A_137, %gt3A_138 : i32
        %convert_element_type3A_140 = arith.extui %gt3A_139 : i1 to i32
        %cond3A_141 = arith.constant 0 : i32
        %cond3A_142 = arith.cmpi ne, %convert_element_type3A_140, %cond3A_141 : i32
        %cond3A_143 = scf.if %cond3A_142 -> (i32) {
          %sub3A_155 = arith.subi %sub3A_73, %scan3A_84 : i32
          %max3A = arith.maxsi %sub3A_155, %scan3A_75 : i32
          %min3A = arith.minsi %max3A, %add3A_137 : i32
          %le3A_156 = arith.constant 0 : i32
          %le3A_157 = arith.cmpi sle, %min3A, %le3A_156 : i32
          %jit3A_158 = arith.constant 999 : i32
          %select_n3A_159 = arith.select %le3A_157, %jit3A_158, %min3A : i32
          %slice3A_160 = vector.extract_strided_slice %select_n3A {offsets = [0], sizes = [1], strides = [1]} : vector<16xi32> to vector<1xi32>
          %squeeze3A_161 = vector.extract %slice3A_160[0] : i32 from vector<1xi32>
          %add3A_162 = arith.addi %scan3A_75, %squeeze3A_161 : i32
          %eq3A_163 = arith.constant -1 : i32
          %eq3A_164 = arith.constant -1 : i32
          %eq3A_165 = arith.cmpi eq, %eq3A_163, %eq3A_164 : i32
          %eq3A_166 = arith.cmpi eq, %add3A_162, %select_n3A_159 : i32
          %and3A_167 = arith.andi %eq3A_165, %eq3A_166 : i1
          %jit3A_168 = arith.constant 0 : i32
          %jit3A_169 = arith.constant -1 : i32
          %select_n3A_170 = arith.select %and3A_167, %jit3A_168, %jit3A_169 : i32
          %slice3A_171 = vector.extract_strided_slice %select_n3A {offsets = [1], sizes = [1], strides = [1]} : vector<16xi32> to vector<1xi32>
          %squeeze3A_172 = vector.extract %slice3A_171[0] : i32 from vector<1xi32>
          %add3A_173 = arith.addi %add3A_162, %squeeze3A_172 : i32
          %eq3A_174 = arith.constant -1 : i32
          %eq3A_175 = arith.cmpi eq, %select_n3A_170, %eq3A_174 : i32
          %eq3A_176 = arith.cmpi eq, %add3A_173, %select_n3A_159 : i32
          %and3A_177 = arith.andi %eq3A_175, %eq3A_176 : i1
          %jit3A_178 = arith.constant 1 : i32
          %select_n3A_179 = arith.select %and3A_177, %jit3A_178, %select_n3A_170 : i32
          %slice3A_180 = vector.extract_strided_slice %select_n3A {offsets = [2], sizes = [1], strides = [1]} : vector<16xi32> to vector<1xi32>
          %squeeze3A_181 = vector.extract %slice3A_180[0] : i32 from vector<1xi32>
          %add3A_182 = arith.addi %add3A_173, %squeeze3A_181 : i32
          %eq3A_183 = arith.constant -1 : i32
          %eq3A_184 = arith.cmpi eq, %select_n3A_179, %eq3A_183 : i32
          %eq3A_185 = arith.cmpi eq, %add3A_182, %select_n3A_159 : i32
          %and3A_186 = arith.andi %eq3A_184, %eq3A_185 : i1
          %jit3A_187 = arith.constant 2 : i32
          %select_n3A_188 = arith.select %and3A_186, %jit3A_187, %select_n3A_179 : i32
          %slice3A_189 = vector.extract_strided_slice %select_n3A {offsets = [3], sizes = [1], strides = [1]} : vector<16xi32> to vector<1xi32>
          %squeeze3A_190 = vector.extract %slice3A_189[0] : i32 from vector<1xi32>
          %add3A_191 = arith.addi %add3A_182, %squeeze3A_190 : i32
          %eq3A_192 = arith.constant -1 : i32
          %eq3A_193 = arith.cmpi eq, %select_n3A_188, %eq3A_192 : i32
          %eq3A_194 = arith.cmpi eq, %add3A_191, %select_n3A_159 : i32
          %and3A_195 = arith.andi %eq3A_193, %eq3A_194 : i1
          %jit3A_196 = arith.constant 3 : i32
          %select_n3A_197 = arith.select %and3A_195, %jit3A_196, %select_n3A_188 : i32
          %slice3A_198 = vector.extract_strided_slice %select_n3A {offsets = [4], sizes = [1], strides = [1]} : vector<16xi32> to vector<1xi32>
          %squeeze3A_199 = vector.extract %slice3A_198[0] : i32 from vector<1xi32>
          %add3A_200 = arith.addi %add3A_191, %squeeze3A_199 : i32
          %eq3A_201 = arith.constant -1 : i32
          %eq3A_202 = arith.cmpi eq, %select_n3A_197, %eq3A_201 : i32
          %eq3A_203 = arith.cmpi eq, %add3A_200, %select_n3A_159 : i32
          %and3A_204 = arith.andi %eq3A_202, %eq3A_203 : i1
          %jit3A_205 = arith.constant 4 : i32
          %select_n3A_206 = arith.select %and3A_204, %jit3A_205, %select_n3A_197 : i32
          %slice3A_207 = vector.extract_strided_slice %select_n3A {offsets = [5], sizes = [1], strides = [1]} : vector<16xi32> to vector<1xi32>
          %squeeze3A_208 = vector.extract %slice3A_207[0] : i32 from vector<1xi32>
          %add3A_209 = arith.addi %add3A_200, %squeeze3A_208 : i32
          %eq3A_210 = arith.constant -1 : i32
          %eq3A_211 = arith.cmpi eq, %select_n3A_206, %eq3A_210 : i32
          %eq3A_212 = arith.cmpi eq, %add3A_209, %select_n3A_159 : i32
          %and3A_213 = arith.andi %eq3A_211, %eq3A_212 : i1
          %jit3A_214 = arith.constant 5 : i32
          %select_n3A_215 = arith.select %and3A_213, %jit3A_214, %select_n3A_206 : i32
          %slice3A_216 = vector.extract_strided_slice %select_n3A {offsets = [6], sizes = [1], strides = [1]} : vector<16xi32> to vector<1xi32>
          %squeeze3A_217 = vector.extract %slice3A_216[0] : i32 from vector<1xi32>
          %add3A_218 = arith.addi %add3A_209, %squeeze3A_217 : i32
          %eq3A_219 = arith.constant -1 : i32
          %eq3A_220 = arith.cmpi eq, %select_n3A_215, %eq3A_219 : i32
          %eq3A_221 = arith.cmpi eq, %add3A_218, %select_n3A_159 : i32
          %and3A_222 = arith.andi %eq3A_220, %eq3A_221 : i1
          %jit3A_223 = arith.constant 6 : i32
          %select_n3A_224 = arith.select %and3A_222, %jit3A_223, %select_n3A_215 : i32
          %slice3A_225 = vector.extract_strided_slice %select_n3A {offsets = [7], sizes = [1], strides = [1]} : vector<16xi32> to vector<1xi32>
          %squeeze3A_226 = vector.extract %slice3A_225[0] : i32 from vector<1xi32>
          %add3A_227 = arith.addi %add3A_218, %squeeze3A_226 : i32
          %eq3A_228 = arith.constant -1 : i32
          %eq3A_229 = arith.cmpi eq, %select_n3A_224, %eq3A_228 : i32
          %eq3A_230 = arith.cmpi eq, %add3A_227, %select_n3A_159 : i32
          %and3A_231 = arith.andi %eq3A_229, %eq3A_230 : i1
          %jit3A_232 = arith.constant 7 : i32
          %select_n3A_233 = arith.select %and3A_231, %jit3A_232, %select_n3A_224 : i32
          %slice3A_234 = vector.extract_strided_slice %select_n3A {offsets = [8], sizes = [1], strides = [1]} : vector<16xi32> to vector<1xi32>
          %squeeze3A_235 = vector.extract %slice3A_234[0] : i32 from vector<1xi32>
          %add3A_236 = arith.addi %add3A_227, %squeeze3A_235 : i32
          %eq3A_237 = arith.constant -1 : i32
          %eq3A_238 = arith.cmpi eq, %select_n3A_233, %eq3A_237 : i32
          %eq3A_239 = arith.cmpi eq, %add3A_236, %select_n3A_159 : i32
          %and3A_240 = arith.andi %eq3A_238, %eq3A_239 : i1
          %jit3A_241 = arith.constant 8 : i32
          %select_n3A_242 = arith.select %and3A_240, %jit3A_241, %select_n3A_233 : i32
          %slice3A_243 = vector.extract_strided_slice %select_n3A {offsets = [9], sizes = [1], strides = [1]} : vector<16xi32> to vector<1xi32>
          %squeeze3A_244 = vector.extract %slice3A_243[0] : i32 from vector<1xi32>
          %add3A_245 = arith.addi %add3A_236, %squeeze3A_244 : i32
          %eq3A_246 = arith.constant -1 : i32
          %eq3A_247 = arith.cmpi eq, %select_n3A_242, %eq3A_246 : i32
          %eq3A_248 = arith.cmpi eq, %add3A_245, %select_n3A_159 : i32
          %and3A_249 = arith.andi %eq3A_247, %eq3A_248 : i1
          %jit3A_250 = arith.constant 9 : i32
          %select_n3A_251 = arith.select %and3A_249, %jit3A_250, %select_n3A_242 : i32
          %slice3A_252 = vector.extract_strided_slice %select_n3A {offsets = [10], sizes = [1], strides = [1]} : vector<16xi32> to vector<1xi32>
          %squeeze3A_253 = vector.extract %slice3A_252[0] : i32 from vector<1xi32>
          %add3A_254 = arith.addi %add3A_245, %squeeze3A_253 : i32
          %eq3A_255 = arith.constant -1 : i32
          %eq3A_256 = arith.cmpi eq, %select_n3A_251, %eq3A_255 : i32
          %eq3A_257 = arith.cmpi eq, %add3A_254, %select_n3A_159 : i32
          %and3A_258 = arith.andi %eq3A_256, %eq3A_257 : i1
          %jit3A_259 = arith.constant 10 : i32
          %select_n3A_260 = arith.select %and3A_258, %jit3A_259, %select_n3A_251 : i32
          %slice3A_261 = vector.extract_strided_slice %select_n3A {offsets = [11], sizes = [1], strides = [1]} : vector<16xi32> to vector<1xi32>
          %squeeze3A_262 = vector.extract %slice3A_261[0] : i32 from vector<1xi32>
          %add3A_263 = arith.addi %add3A_254, %squeeze3A_262 : i32
          %eq3A_264 = arith.constant -1 : i32
          %eq3A_265 = arith.cmpi eq, %select_n3A_260, %eq3A_264 : i32
          %eq3A_266 = arith.cmpi eq, %add3A_263, %select_n3A_159 : i32
          %and3A_267 = arith.andi %eq3A_265, %eq3A_266 : i1
          %jit3A_268 = arith.constant 11 : i32
          %select_n3A_269 = arith.select %and3A_267, %jit3A_268, %select_n3A_260 : i32
          %slice3A_270 = vector.extract_strided_slice %select_n3A {offsets = [12], sizes = [1], strides = [1]} : vector<16xi32> to vector<1xi32>
          %squeeze3A_271 = vector.extract %slice3A_270[0] : i32 from vector<1xi32>
          %add3A_272 = arith.addi %add3A_263, %squeeze3A_271 : i32
          %eq3A_273 = arith.constant -1 : i32
          %eq3A_274 = arith.cmpi eq, %select_n3A_269, %eq3A_273 : i32
          %eq3A_275 = arith.cmpi eq, %add3A_272, %select_n3A_159 : i32
          %and3A_276 = arith.andi %eq3A_274, %eq3A_275 : i1
          %jit3A_277 = arith.constant 12 : i32
          %select_n3A_278 = arith.select %and3A_276, %jit3A_277, %select_n3A_269 : i32
          %slice3A_279 = vector.extract_strided_slice %select_n3A {offsets = [13], sizes = [1], strides = [1]} : vector<16xi32> to vector<1xi32>
          %squeeze3A_280 = vector.extract %slice3A_279[0] : i32 from vector<1xi32>
          %add3A_281 = arith.addi %add3A_272, %squeeze3A_280 : i32
          %eq3A_282 = arith.constant -1 : i32
          %eq3A_283 = arith.cmpi eq, %select_n3A_278, %eq3A_282 : i32
          %eq3A_284 = arith.cmpi eq, %add3A_281, %select_n3A_159 : i32
          %and3A_285 = arith.andi %eq3A_283, %eq3A_284 : i1
          %jit3A_286 = arith.constant 13 : i32
          %select_n3A_287 = arith.select %and3A_285, %jit3A_286, %select_n3A_278 : i32
          %slice3A_288 = vector.extract_strided_slice %select_n3A {offsets = [14], sizes = [1], strides = [1]} : vector<16xi32> to vector<1xi32>
          %squeeze3A_289 = vector.extract %slice3A_288[0] : i32 from vector<1xi32>
          %add3A_290 = arith.addi %add3A_281, %squeeze3A_289 : i32
          %eq3A_291 = arith.constant -1 : i32
          %eq3A_292 = arith.cmpi eq, %select_n3A_287, %eq3A_291 : i32
          %eq3A_293 = arith.cmpi eq, %add3A_290, %select_n3A_159 : i32
          %and3A_294 = arith.andi %eq3A_292, %eq3A_293 : i1
          %jit3A_295 = arith.constant 14 : i32
          %select_n3A_296 = arith.select %and3A_294, %jit3A_295, %select_n3A_287 : i32
          %slice3A_297 = vector.extract_strided_slice %select_n3A {offsets = [15], sizes = [1], strides = [1]} : vector<16xi32> to vector<1xi32>
          %squeeze3A_298 = vector.extract %slice3A_297[0] : i32 from vector<1xi32>
          %add3A_299 = arith.addi %add3A_290, %squeeze3A_298 : i32
          %eq3A_300 = arith.constant -1 : i32
          %eq3A_301 = arith.cmpi eq, %select_n3A_296, %eq3A_300 : i32
          %eq3A_302 = arith.cmpi eq, %add3A_299, %select_n3A_159 : i32
          %and3A_303 = arith.andi %eq3A_301, %eq3A_302 : i1
          %jit3A_304 = arith.constant 15 : i32
          %select_n3A_305 = arith.select %and3A_303, %jit3A_304, %select_n3A_296 : i32
          scf.yield %select_n3A_305 : i32
        } else {
          %cond3A_155 = arith.constant -1 : i32
          scf.yield %cond3A_155 : i32
        }
        %broadcast_in_dim3A_144 = vector.broadcast %cond3A_143 : i32 to vector<16xi32>
        %le3A = arith.cmpi sle, %iota3A, %broadcast_in_dim3A_144 : vector<16xi32>
        %and3A = arith.andi %eq3A, %le3A : vector<16xi1>
        %or3A = arith.ori %gt3A, %and3A : vector<16xi1>
        %jit3A = arith.constant 1.000000e+00 : f32
        %jit3A_145 = arith.constant 0.000000e+00 : f32
        %broadcast_in_dim3A_146 = vector.broadcast %jit3A : f32 to vector<16xf32>
        %broadcast_in_dim3A_147 = vector.broadcast %jit3A_145 : f32 to vector<16xf32>
        %select_n3A_148 = arith.select %or3A, %broadcast_in_dim3A_146, %broadcast_in_dim3A_147 : vector<16xi1>, vector<16xf32>
        %mul3A_149 = arith.constant 16 : i32
        %mul3A_150 = arith.muli %scan3A_83, %mul3A_149 : i32
        %swap3A = arith.index_cast %mul3A_150 : i32 to index
        %swap3A_151 = tpu.vector_load %arg6[%swap3A] {strides = array<i32>} : memref<576xf32, #tpu.memory_space<vmem>>, vector<16xf32>,
        %swap3A_152 = vector.shape_cast %swap3A_151 : vector<16xf32> to vector<16xf32>
        %swap3A_153 = vector.shape_cast %select_n3A_148 : vector<16xf32> to vector<16xf32>
        tpu.vector_store %arg6[%swap3A], %swap3A_153 {strides = array<i32>} : memref<576xf32, #tpu.memory_space<vmem>>, vector<16xf32>,
        %add3A_154 = arith.addi %scan3A_84, %add3A_137 : i32
        scf.yield %add3A_154 : i32
      }
      %scan3A_82 = arith.constant 36 : i32
      "tpu.region"() ({
        %run_scoped3A = tpu.sem_alloc : memref<!tpu.dma_semaphore, #tpu.memory_space<semaphore_mem>>
        %dma_start3A = arith.constant 0 : i32
        %dma_start3A_83 = tpu.memref_slice %arg3[%add3A, %dma_start3A] : memref<8x576xf32, #tpu.memory_space<hbm>> -> memref<1x576xf32, #tpu.memory_space<hbm>>
        %dma_start3A_84 = tpu.memref_squeeze %dma_start3A_83 : memref<1x576xf32, #tpu.memory_space<hbm>> -> memref<576xf32, #tpu.memory_space<hbm>>
        %dma_start3A_85 = arith.constant 0 : i32
        %dma_start3A_86 = tpu.memref_slice %arg3[%add3A, %dma_start3A_85] : memref<8x576xf32, #tpu.memory_space<hbm>> -> memref<1x576xf32, #tpu.memory_space<hbm>>
        %dma_start3A_87 = tpu.memref_squeeze %dma_start3A_86 : memref<1x576xf32, #tpu.memory_space<hbm>> -> memref<576xf32, #tpu.memory_space<hbm>>
        tpu.enqueue_dma source(%arg6 : memref<576xf32, #tpu.memory_space<vmem>>) target(%dma_start3A_87 : memref<576xf32, #tpu.memory_space<hbm>>) target_semaphore(%run_scoped3A : memref<!tpu.dma_semaphore, #tpu.memory_space<semaphore_mem>>)
        %dma_wait3A = arith.constant 0 : i32
        %dma_wait3A_88 = tpu.memref_slice %arg3[%add3A, %dma_wait3A] : memref<8x576xf32, #tpu.memory_space<hbm>> -> memref<1x576xf32, #tpu.memory_space<hbm>>
        %dma_wait3A_89 = tpu.memref_squeeze %dma_wait3A_88 : memref<1x576xf32, #tpu.memory_space<hbm>> -> memref<576xf32, #tpu.memory_space<hbm>>
        %dma_wait3A_90 = arith.constant 0 : i32
        %dma_wait3A_91 = tpu.memref_slice %arg3[%add3A, %dma_wait3A_90] : memref<8x576xf32, #tpu.memory_space<hbm>> -> memref<1x576xf32, #tpu.memory_space<hbm>>
        %dma_wait3A_92 = tpu.memref_squeeze %dma_wait3A_91 : memref<1x576xf32, #tpu.memory_space<hbm>> -> memref<576xf32, #tpu.memory_space<hbm>>
        tpu.wait_dma2 semaphore(%run_scoped3A : memref<!tpu.dma_semaphore, #tpu.memory_space<semaphore_mem>>) src(%arg6 : memref<576xf32, #tpu.memory_space<vmem>>) dst(%dma_wait3A_92 : memref<576xf32, #tpu.memory_space<hbm>>)
        tpu.yield
      }) : () -> ()
    } else {
    }
    return
  }
}

module attributes {stable_mosaic.version = 14 : i64} {
  func.func @_fix_kernel(%arg0: i32, %arg1: memref<8x576xf32, #tpu.memory_space<vmem>>, %arg2: memref<8x1x128x384xf32, #tpu.memory_space<vmem>>, %arg3: memref<8x49152xf32, #tpu.memory_space<vmem>>, %arg4: memref<8x24x384xf32, #tpu.memory_space<vmem>>) attributes {dimension_semantics = [#tpu.dimension_semantics<arbitrary>], iteration_bounds = array<i64: 10>, scalar_prefetch = 0 : i64, scratch_operands = 1 : i64, tpu.core_type = #tpu.core_type<tc>, window_params = [{pipeline_mode = #tpu.pipeline_mode<synchronous>, transform_indices = @transform_0, window_bounds = array<i64: 8, 576>}, {transform_indices = @transform_1, window_bounds = array<i64: 8, 1, 128, 384>}, {transform_indices = @transform_2, window_bounds = array<i64: 8, 49152>}]} {
    %eq3A = arith.constant 0 : i32
    %eq3A_0 = arith.cmpi eq, %arg0, %eq3A : i32
    %convert_element_type3A = arith.extui %eq3A_0 : i1 to i32
    %cond3A = arith.constant 0 : i32
    %cond3A_1 = arith.cmpi ne, %convert_element_type3A, %cond3A : i32
    scf.if %cond3A_1 {
      %iota3A = tpu.iota {dimensions = array<i32: 1>} : vector<24x576xi32>
      %iota3A_6 = tpu.iota {dimensions = array<i32: 0>} : vector<24x576xi32>
      %jit3A = arith.constant 24 : i32
      %div3A = vector.broadcast %jit3A : i32 to vector<24x576xi32>
      %div3A_7 = arith.divsi %iota3A, %div3A : vector<24x576xi32>
      %sign3A = arith.constant 0 : i32
      %sign3A_8 = vector.broadcast %sign3A : i32 to vector<24x576xi32>
      %sign3A_9 = arith.cmpi sgt, %iota3A, %sign3A_8 : vector<24x576xi32>
      %sign3A_10 = arith.extui %sign3A_9 : vector<24x576xi1> to vector<24x576xi32>
      %sign3A_11 = arith.constant 0 : i32
      %sign3A_12 = vector.broadcast %sign3A_11 : i32 to vector<24x576xi32>
      %sign3A_13 = arith.cmpi slt, %iota3A, %sign3A_12 : vector<24x576xi32>
      %sign3A_14 = arith.extui %sign3A_13 : vector<24x576xi1> to vector<24x576xi32>
      %sign3A_15 = arith.subi %sign3A_10, %sign3A_14 : vector<24x576xi32>
      %sign3A_16 = arith.constant 0 : i32
      %sign3A_17 = arith.cmpi sgt, %jit3A, %sign3A_16 : i32
      %sign3A_18 = arith.extui %sign3A_17 : i1 to i32
      %sign3A_19 = arith.constant 0 : i32
      %sign3A_20 = arith.cmpi slt, %jit3A, %sign3A_19 : i32
      %sign3A_21 = arith.extui %sign3A_20 : i1 to i32
      %sign3A_22 = arith.subi %sign3A_18, %sign3A_21 : i32
      %ne3A = vector.broadcast %sign3A_22 : i32 to vector<24x576xi32>
      %ne3A_23 = arith.cmpi ne, %sign3A_15, %ne3A : vector<24x576xi32>
      %rem3A = vector.broadcast %jit3A : i32 to vector<24x576xi32>
      %rem3A_24 = arith.remsi %iota3A, %rem3A : vector<24x576xi32>
      %ne3A_25 = arith.constant 0 : i32
      %ne3A_26 = vector.broadcast %ne3A_25 : i32 to vector<24x576xi32>
      %ne3A_27 = arith.cmpi ne, %rem3A_24, %ne3A_26 : vector<24x576xi32>
      %and3A = arith.andi %ne3A_23, %ne3A_27 : vector<24x576xi1>
      %sub3A = arith.constant 1 : i32
      %sub3A_28 = vector.broadcast %sub3A : i32 to vector<24x576xi32>
      %sub3A_29 = arith.subi %div3A_7, %sub3A_28 : vector<24x576xi32>
      %select_n3A = arith.select %and3A, %sub3A_29, %div3A_7 : vector<24x576xi1>, vector<24x576xi32>
      %eq3A_30 = arith.cmpi eq, %select_n3A, %iota3A_6 : vector<24x576xi32>
      %convert_element_type3A_31 = arith.extui %eq3A_30 : vector<24x576xi1> to vector<24x576xi32>
      %convert_element_type3A_32 = arith.sitofp %convert_element_type3A_31 : vector<24x576xi32> to vector<24x576xf32>
      %iota3A_33 = tpu.iota {dimensions = array<i32: 0>} : vector<576x24xi32>
      %iota3A_34 = tpu.iota {dimensions = array<i32: 1>} : vector<576x24xi32>
      %jit3A_35 = arith.constant 24 : i32
      %eq3A_36 = arith.constant 0 : i32
      %eq3A_37 = arith.cmpi eq, %jit3A_35, %eq3A_36 : i32
      %jit3A_38 = arith.constant 1 : i32
      %select_n3A_39 = arith.select %eq3A_37, %jit3A_38, %jit3A_35 : i32
      %rem3A_40 = vector.broadcast %select_n3A_39 : i32 to vector<576x24xi32>
      %rem3A_41 = arith.remsi %iota3A_33, %rem3A_40 : vector<576x24xi32>
      %ne3A_42 = arith.constant 0 : i32
      %ne3A_43 = vector.broadcast %ne3A_42 : i32 to vector<576x24xi32>
      %ne3A_44 = arith.cmpi ne, %rem3A_41, %ne3A_43 : vector<576x24xi32>
      %lt3A = arith.constant 0 : i32
      %lt3A_45 = vector.broadcast %lt3A : i32 to vector<576x24xi32>
      %lt3A_46 = arith.cmpi slt, %rem3A_41, %lt3A_45 : vector<576x24xi32>
      %lt3A_47 = arith.constant 0 : i32
      %lt3A_48 = arith.cmpi slt, %select_n3A_39, %lt3A_47 : i32
      %ne3A_49 = vector.broadcast %lt3A_48 : i1 to vector<576x24xi1>
      %ne3A_50 = vector.broadcast %ne3A_49 : vector<576x24xi1> to vector<576x24xi1>
      %ne3A_51 = arith.xori %lt3A_46, %ne3A_50 : vector<576x24xi1>
      %and3A_52 = arith.andi %ne3A_51, %ne3A_44 : vector<576x24xi1>
      %add3A = vector.broadcast %select_n3A_39 : i32 to vector<576x24xi32>
      %add3A_53 = arith.addi %rem3A_41, %add3A : vector<576x24xi32>
      %select_n3A_54 = arith.select %and3A_52, %add3A_53, %rem3A_41 : vector<576x24xi1>, vector<576x24xi32>
      %eq3A_55 = arith.cmpi eq, %select_n3A_54, %iota3A_34 : vector<576x24xi32>
      %convert_element_type3A_56 = arith.extui %eq3A_55 : vector<576x24xi1> to vector<576x24xi32>
      %convert_element_type3A_57 = arith.sitofp %convert_element_type3A_56 : vector<576x24xi32> to vector<576x24xf32>
      %iota3A_58 = tpu.iota {dimensions = array<i32: 0>} : vector<24x384xi32>
      %iota3A_59 = tpu.iota {dimensions = array<i32: 1>} : vector<24x384xi32>
      %jit3A_60 = arith.constant 16 : i32
      %div3A_61 = vector.broadcast %jit3A_60 : i32 to vector<24x384xi32>
      %div3A_62 = arith.divsi %iota3A_59, %div3A_61 : vector<24x384xi32>
      %sign3A_63 = arith.constant 0 : i32
      %sign3A_64 = vector.broadcast %sign3A_63 : i32 to vector<24x384xi32>
      %sign3A_65 = arith.cmpi sgt, %iota3A_59, %sign3A_64 : vector<24x384xi32>
      %sign3A_66 = arith.extui %sign3A_65 : vector<24x384xi1> to vector<24x384xi32>
      %sign3A_67 = arith.constant 0 : i32
      %sign3A_68 = vector.broadcast %sign3A_67 : i32 to vector<24x384xi32>
      %sign3A_69 = arith.cmpi slt, %iota3A_59, %sign3A_68 : vector<24x384xi32>
      %sign3A_70 = arith.extui %sign3A_69 : vector<24x384xi1> to vector<24x384xi32>
      %sign3A_71 = arith.subi %sign3A_66, %sign3A_70 : vector<24x384xi32>
      %sign3A_72 = arith.constant 0 : i32
      %sign3A_73 = arith.cmpi sgt, %jit3A_60, %sign3A_72 : i32
      %sign3A_74 = arith.extui %sign3A_73 : i1 to i32
      %sign3A_75 = arith.constant 0 : i32
      %sign3A_76 = arith.cmpi slt, %jit3A_60, %sign3A_75 : i32
      %sign3A_77 = arith.extui %sign3A_76 : i1 to i32
      %sign3A_78 = arith.subi %sign3A_74, %sign3A_77 : i32
      %ne3A_79 = vector.broadcast %sign3A_78 : i32 to vector<24x384xi32>
      %ne3A_80 = arith.cmpi ne, %sign3A_71, %ne3A_79 : vector<24x384xi32>
      %rem3A_81 = vector.broadcast %jit3A_60 : i32 to vector<24x384xi32>
      %rem3A_82 = arith.remsi %iota3A_59, %rem3A_81 : vector<24x384xi32>
      %ne3A_83 = arith.constant 0 : i32
      %ne3A_84 = vector.broadcast %ne3A_83 : i32 to vector<24x384xi32>
      %ne3A_85 = arith.cmpi ne, %rem3A_82, %ne3A_84 : vector<24x384xi32>
      %and3A_86 = arith.andi %ne3A_80, %ne3A_85 : vector<24x384xi1>
      %sub3A_87 = arith.constant 1 : i32
      %sub3A_88 = vector.broadcast %sub3A_87 : i32 to vector<24x384xi32>
      %sub3A_89 = arith.subi %div3A_62, %sub3A_88 : vector<24x384xi32>
      %select_n3A_90 = arith.select %and3A_86, %sub3A_89, %div3A_62 : vector<24x384xi1>, vector<24x384xi32>
      %eq3A_91 = arith.cmpi eq, %select_n3A_90, %iota3A_58 : vector<24x384xi32>
      %convert_element_type3A_92 = arith.extui %eq3A_91 : vector<24x384xi1> to vector<24x384xi32>
      %convert_element_type3A_93 = arith.sitofp %convert_element_type3A_92 : vector<24x384xi32> to vector<24x384xf32>
      %get3A = arith.constant 0 : index
      %get3A_94 = arith.constant 0 : index
      %get3A_95 = vector.load %arg1[%get3A, %get3A_94] : memref<8x576xf32, #tpu.memory_space<vmem>>, vector<1x576xf32>
      %mul3A = vector.broadcast %get3A_95 : vector<1x576xf32> to vector<24x576xf32>
      %mul3A_96 = arith.mulf %convert_element_type3A_32, %mul3A : vector<24x576xf32>
      %dot_general3A = arith.constant dense<0.000000e+00> : vector<24x24xf32>
      %dot_general3A_97 = tpu.matmul %mul3A_96, %convert_element_type3A_57, %dot_general3A {dimension_numbers = #tpu.dot_dimension_numbers<[1], [0], [0], [1], [0, 0, 1, 1], [], []>, transpose_lhs_hint = false} : vector<24x576xf32>, vector<576x24xf32>, vector<24x24xf32> -> vector<24x24xf32>
      %dot_general3A_98 = arith.constant dense<0.000000e+00> : vector<24x384xf32>
      %dot_general3A_99 = tpu.matmul %dot_general3A_97, %convert_element_type3A_93, %dot_general3A_98 {dimension_numbers = #tpu.dot_dimension_numbers<[1], [0], [0], [1], [0, 0, 1, 1], [], []>, transpose_lhs_hint = false} : vector<24x24xf32>, vector<24x384xf32>, vector<24x384xf32> -> vector<24x384xf32>
      %swap3A = arith.constant 0 : index
      %swap3A_100 = arith.constant 0 : index
      %swap3A_101 = arith.constant 0 : index
      %swap3A_102 = vector.load %arg4[%swap3A, %swap3A_100, %swap3A_101] : memref<8x24x384xf32, #tpu.memory_space<vmem>>, vector<1x24x384xf32>
      %swap3A_103 = vector.shape_cast %swap3A_102 : vector<1x24x384xf32> to vector<24x384xf32>
      %swap3A_104 = vector.shape_cast %dot_general3A_99 : vector<24x384xf32> to vector<1x24x384xf32>
      tpu.vector_store %arg4[%swap3A, %swap3A_100, %swap3A_101], %swap3A_104 {strides = array<i32>} : memref<8x24x384xf32, #tpu.memory_space<vmem>>, vector<1x24x384xf32>,
      %get3A_105 = arith.constant 1 : index
      %get3A_106 = arith.constant 0 : index
      %get3A_107 = vector.load %arg1[%get3A_105, %get3A_106] : memref<8x576xf32, #tpu.memory_space<vmem>>, vector<1x576xf32>
      %mul3A_108 = vector.broadcast %get3A_107 : vector<1x576xf32> to vector<24x576xf32>
      %mul3A_109 = arith.mulf %convert_element_type3A_32, %mul3A_108 : vector<24x576xf32>
      %dot_general3A_110 = arith.constant dense<0.000000e+00> : vector<24x24xf32>
      %dot_general3A_111 = tpu.matmul %mul3A_109, %convert_element_type3A_57, %dot_general3A_110 {dimension_numbers = #tpu.dot_dimension_numbers<[1], [0], [0], [1], [0, 0, 1, 1], [], []>, transpose_lhs_hint = false} : vector<24x576xf32>, vector<576x24xf32>, vector<24x24xf32> -> vector<24x24xf32>
      %dot_general3A_112 = arith.constant dense<0.000000e+00> : vector<24x384xf32>
      %dot_general3A_113 = tpu.matmul %dot_general3A_111, %convert_element_type3A_93, %dot_general3A_112 {dimension_numbers = #tpu.dot_dimension_numbers<[1], [0], [0], [1], [0, 0, 1, 1], [], []>, transpose_lhs_hint = false} : vector<24x24xf32>, vector<24x384xf32>, vector<24x384xf32> -> vector<24x384xf32>
      %swap3A_114 = arith.constant 1 : index
      %swap3A_115 = arith.constant 0 : index
      %swap3A_116 = arith.constant 0 : index
      %swap3A_117 = vector.load %arg4[%swap3A_114, %swap3A_115, %swap3A_116] : memref<8x24x384xf32, #tpu.memory_space<vmem>>, vector<1x24x384xf32>
      %swap3A_118 = vector.shape_cast %swap3A_117 : vector<1x24x384xf32> to vector<24x384xf32>
      %swap3A_119 = vector.shape_cast %dot_general3A_113 : vector<24x384xf32> to vector<1x24x384xf32>
      tpu.vector_store %arg4[%swap3A_114, %swap3A_115, %swap3A_116], %swap3A_119 {strides = array<i32>} : memref<8x24x384xf32, #tpu.memory_space<vmem>>, vector<1x24x384xf32>,
      %get3A_120 = arith.constant 2 : index
      %get3A_121 = arith.constant 0 : index
      %get3A_122 = vector.load %arg1[%get3A_120, %get3A_121] : memref<8x576xf32, #tpu.memory_space<vmem>>, vector<1x576xf32>
      %mul3A_123 = vector.broadcast %get3A_122 : vector<1x576xf32> to vector<24x576xf32>
      %mul3A_124 = arith.mulf %convert_element_type3A_32, %mul3A_123 : vector<24x576xf32>
      %dot_general3A_125 = arith.constant dense<0.000000e+00> : vector<24x24xf32>
      %dot_general3A_126 = tpu.matmul %mul3A_124, %convert_element_type3A_57, %dot_general3A_125 {dimension_numbers = #tpu.dot_dimension_numbers<[1], [0], [0], [1], [0, 0, 1, 1], [], []>, transpose_lhs_hint = false} : vector<24x576xf32>, vector<576x24xf32>, vector<24x24xf32> -> vector<24x24xf32>
      %dot_general3A_127 = arith.constant dense<0.000000e+00> : vector<24x384xf32>
      %dot_general3A_128 = tpu.matmul %dot_general3A_126, %convert_element_type3A_93, %dot_general3A_127 {dimension_numbers = #tpu.dot_dimension_numbers<[1], [0], [0], [1], [0, 0, 1, 1], [], []>, transpose_lhs_hint = false} : vector<24x24xf32>, vector<24x384xf32>, vector<24x384xf32> -> vector<24x384xf32>
      %swap3A_129 = arith.constant 2 : index
      %swap3A_130 = arith.constant 0 : index
      %swap3A_131 = arith.constant 0 : index
      %swap3A_132 = vector.load %arg4[%swap3A_129, %swap3A_130, %swap3A_131] : memref<8x24x384xf32, #tpu.memory_space<vmem>>, vector<1x24x384xf32>
      %swap3A_133 = vector.shape_cast %swap3A_132 : vector<1x24x384xf32> to vector<24x384xf32>
      %swap3A_134 = vector.shape_cast %dot_general3A_128 : vector<24x384xf32> to vector<1x24x384xf32>
      tpu.vector_store %arg4[%swap3A_129, %swap3A_130, %swap3A_131], %swap3A_134 {strides = array<i32>} : memref<8x24x384xf32, #tpu.memory_space<vmem>>, vector<1x24x384xf32>,
      %get3A_135 = arith.constant 3 : index
      %get3A_136 = arith.constant 0 : index
      %get3A_137 = vector.load %arg1[%get3A_135, %get3A_136] : memref<8x576xf32, #tpu.memory_space<vmem>>, vector<1x576xf32>
      %mul3A_138 = vector.broadcast %get3A_137 : vector<1x576xf32> to vector<24x576xf32>
      %mul3A_139 = arith.mulf %convert_element_type3A_32, %mul3A_138 : vector<24x576xf32>
      %dot_general3A_140 = arith.constant dense<0.000000e+00> : vector<24x24xf32>
      %dot_general3A_141 = tpu.matmul %mul3A_139, %convert_element_type3A_57, %dot_general3A_140 {dimension_numbers = #tpu.dot_dimension_numbers<[1], [0], [0], [1], [0, 0, 1, 1], [], []>, transpose_lhs_hint = false} : vector<24x576xf32>, vector<576x24xf32>, vector<24x24xf32> -> vector<24x24xf32>
      %dot_general3A_142 = arith.constant dense<0.000000e+00> : vector<24x384xf32>
      %dot_general3A_143 = tpu.matmul %dot_general3A_141, %convert_element_type3A_93, %dot_general3A_142 {dimension_numbers = #tpu.dot_dimension_numbers<[1], [0], [0], [1], [0, 0, 1, 1], [], []>, transpose_lhs_hint = false} : vector<24x24xf32>, vector<24x384xf32>, vector<24x384xf32> -> vector<24x384xf32>
      %swap3A_144 = arith.constant 3 : index
      %swap3A_145 = arith.constant 0 : index
      %swap3A_146 = arith.constant 0 : index
      %swap3A_147 = vector.load %arg4[%swap3A_144, %swap3A_145, %swap3A_146] : memref<8x24x384xf32, #tpu.memory_space<vmem>>, vector<1x24x384xf32>
      %swap3A_148 = vector.shape_cast %swap3A_147 : vector<1x24x384xf32> to vector<24x384xf32>
      %swap3A_149 = vector.shape_cast %dot_general3A_143 : vector<24x384xf32> to vector<1x24x384xf32>
      tpu.vector_store %arg4[%swap3A_144, %swap3A_145, %swap3A_146], %swap3A_149 {strides = array<i32>} : memref<8x24x384xf32, #tpu.memory_space<vmem>>, vector<1x24x384xf32>,
      %get3A_150 = arith.constant 4 : index
      %get3A_151 = arith.constant 0 : index
      %get3A_152 = vector.load %arg1[%get3A_150, %get3A_151] : memref<8x576xf32, #tpu.memory_space<vmem>>, vector<1x576xf32>
      %mul3A_153 = vector.broadcast %get3A_152 : vector<1x576xf32> to vector<24x576xf32>
      %mul3A_154 = arith.mulf %convert_element_type3A_32, %mul3A_153 : vector<24x576xf32>
      %dot_general3A_155 = arith.constant dense<0.000000e+00> : vector<24x24xf32>
      %dot_general3A_156 = tpu.matmul %mul3A_154, %convert_element_type3A_57, %dot_general3A_155 {dimension_numbers = #tpu.dot_dimension_numbers<[1], [0], [0], [1], [0, 0, 1, 1], [], []>, transpose_lhs_hint = false} : vector<24x576xf32>, vector<576x24xf32>, vector<24x24xf32> -> vector<24x24xf32>
      %dot_general3A_157 = arith.constant dense<0.000000e+00> : vector<24x384xf32>
      %dot_general3A_158 = tpu.matmul %dot_general3A_156, %convert_element_type3A_93, %dot_general3A_157 {dimension_numbers = #tpu.dot_dimension_numbers<[1], [0], [0], [1], [0, 0, 1, 1], [], []>, transpose_lhs_hint = false} : vector<24x24xf32>, vector<24x384xf32>, vector<24x384xf32> -> vector<24x384xf32>
      %swap3A_159 = arith.constant 4 : index
      %swap3A_160 = arith.constant 0 : index
      %swap3A_161 = arith.constant 0 : index
      %swap3A_162 = vector.load %arg4[%swap3A_159, %swap3A_160, %swap3A_161] : memref<8x24x384xf32, #tpu.memory_space<vmem>>, vector<1x24x384xf32>
      %swap3A_163 = vector.shape_cast %swap3A_162 : vector<1x24x384xf32> to vector<24x384xf32>
      %swap3A_164 = vector.shape_cast %dot_general3A_158 : vector<24x384xf32> to vector<1x24x384xf32>
      tpu.vector_store %arg4[%swap3A_159, %swap3A_160, %swap3A_161], %swap3A_164 {strides = array<i32>} : memref<8x24x384xf32, #tpu.memory_space<vmem>>, vector<1x24x384xf32>,
      %get3A_165 = arith.constant 5 : index
      %get3A_166 = arith.constant 0 : index
      %get3A_167 = vector.load %arg1[%get3A_165, %get3A_166] : memref<8x576xf32, #tpu.memory_space<vmem>>, vector<1x576xf32>
      %mul3A_168 = vector.broadcast %get3A_167 : vector<1x576xf32> to vector<24x576xf32>
      %mul3A_169 = arith.mulf %convert_element_type3A_32, %mul3A_168 : vector<24x576xf32>
      %dot_general3A_170 = arith.constant dense<0.000000e+00> : vector<24x24xf32>
      %dot_general3A_171 = tpu.matmul %mul3A_169, %convert_element_type3A_57, %dot_general3A_170 {dimension_numbers = #tpu.dot_dimension_numbers<[1], [0], [0], [1], [0, 0, 1, 1], [], []>, transpose_lhs_hint = false} : vector<24x576xf32>, vector<576x24xf32>, vector<24x24xf32> -> vector<24x24xf32>
      %dot_general3A_172 = arith.constant dense<0.000000e+00> : vector<24x384xf32>
      %dot_general3A_173 = tpu.matmul %dot_general3A_171, %convert_element_type3A_93, %dot_general3A_172 {dimension_numbers = #tpu.dot_dimension_numbers<[1], [0], [0], [1], [0, 0, 1, 1], [], []>, transpose_lhs_hint = false} : vector<24x24xf32>, vector<24x384xf32>, vector<24x384xf32> -> vector<24x384xf32>
      %swap3A_174 = arith.constant 5 : index
      %swap3A_175 = arith.constant 0 : index
      %swap3A_176 = arith.constant 0 : index
      %swap3A_177 = vector.load %arg4[%swap3A_174, %swap3A_175, %swap3A_176] : memref<8x24x384xf32, #tpu.memory_space<vmem>>, vector<1x24x384xf32>
      %swap3A_178 = vector.shape_cast %swap3A_177 : vector<1x24x384xf32> to vector<24x384xf32>
      %swap3A_179 = vector.shape_cast %dot_general3A_173 : vector<24x384xf32> to vector<1x24x384xf32>
      tpu.vector_store %arg4[%swap3A_174, %swap3A_175, %swap3A_176], %swap3A_179 {strides = array<i32>} : memref<8x24x384xf32, #tpu.memory_space<vmem>>, vector<1x24x384xf32>,
      %get3A_180 = arith.constant 6 : index
      %get3A_181 = arith.constant 0 : index
      %get3A_182 = vector.load %arg1[%get3A_180, %get3A_181] : memref<8x576xf32, #tpu.memory_space<vmem>>, vector<1x576xf32>
      %mul3A_183 = vector.broadcast %get3A_182 : vector<1x576xf32> to vector<24x576xf32>
      %mul3A_184 = arith.mulf %convert_element_type3A_32, %mul3A_183 : vector<24x576xf32>
      %dot_general3A_185 = arith.constant dense<0.000000e+00> : vector<24x24xf32>
      %dot_general3A_186 = tpu.matmul %mul3A_184, %convert_element_type3A_57, %dot_general3A_185 {dimension_numbers = #tpu.dot_dimension_numbers<[1], [0], [0], [1], [0, 0, 1, 1], [], []>, transpose_lhs_hint = false} : vector<24x576xf32>, vector<576x24xf32>, vector<24x24xf32> -> vector<24x24xf32>
      %dot_general3A_187 = arith.constant dense<0.000000e+00> : vector<24x384xf32>
      %dot_general3A_188 = tpu.matmul %dot_general3A_186, %convert_element_type3A_93, %dot_general3A_187 {dimension_numbers = #tpu.dot_dimension_numbers<[1], [0], [0], [1], [0, 0, 1, 1], [], []>, transpose_lhs_hint = false} : vector<24x24xf32>, vector<24x384xf32>, vector<24x384xf32> -> vector<24x384xf32>
      %swap3A_189 = arith.constant 6 : index
      %swap3A_190 = arith.constant 0 : index
      %swap3A_191 = arith.constant 0 : index
      %swap3A_192 = vector.load %arg4[%swap3A_189, %swap3A_190, %swap3A_191] : memref<8x24x384xf32, #tpu.memory_space<vmem>>, vector<1x24x384xf32>
      %swap3A_193 = vector.shape_cast %swap3A_192 : vector<1x24x384xf32> to vector<24x384xf32>
      %swap3A_194 = vector.shape_cast %dot_general3A_188 : vector<24x384xf32> to vector<1x24x384xf32>
      tpu.vector_store %arg4[%swap3A_189, %swap3A_190, %swap3A_191], %swap3A_194 {strides = array<i32>} : memref<8x24x384xf32, #tpu.memory_space<vmem>>, vector<1x24x384xf32>,
      %get3A_195 = arith.constant 7 : index
      %get3A_196 = arith.constant 0 : index
      %get3A_197 = vector.load %arg1[%get3A_195, %get3A_196] : memref<8x576xf32, #tpu.memory_space<vmem>>, vector<1x576xf32>
      %mul3A_198 = vector.broadcast %get3A_197 : vector<1x576xf32> to vector<24x576xf32>
      %mul3A_199 = arith.mulf %convert_element_type3A_32, %mul3A_198 : vector<24x576xf32>
      %dot_general3A_200 = arith.constant dense<0.000000e+00> : vector<24x24xf32>
      %dot_general3A_201 = tpu.matmul %mul3A_199, %convert_element_type3A_57, %dot_general3A_200 {dimension_numbers = #tpu.dot_dimension_numbers<[1], [0], [0], [1], [0, 0, 1, 1], [], []>, transpose_lhs_hint = false} : vector<24x576xf32>, vector<576x24xf32>, vector<24x24xf32> -> vector<24x24xf32>
      %dot_general3A_202 = arith.constant dense<0.000000e+00> : vector<24x384xf32>
      %dot_general3A_203 = tpu.matmul %dot_general3A_201, %convert_element_type3A_93, %dot_general3A_202 {dimension_numbers = #tpu.dot_dimension_numbers<[1], [0], [0], [1], [0, 0, 1, 1], [], []>, transpose_lhs_hint = false} : vector<24x24xf32>, vector<24x384xf32>, vector<24x384xf32> -> vector<24x384xf32>
      %swap3A_204 = arith.constant 7 : index
      %swap3A_205 = arith.constant 0 : index
      %swap3A_206 = arith.constant 0 : index
      %swap3A_207 = vector.load %arg4[%swap3A_204, %swap3A_205, %swap3A_206] : memref<8x24x384xf32, #tpu.memory_space<vmem>>, vector<1x24x384xf32>
      %swap3A_208 = vector.shape_cast %swap3A_207 : vector<1x24x384xf32> to vector<24x384xf32>
      %swap3A_209 = vector.shape_cast %dot_general3A_203 : vector<24x384xf32> to vector<1x24x384xf32>
      tpu.vector_store %arg4[%swap3A_204, %swap3A_205, %swap3A_206], %swap3A_209 {strides = array<i32>} : memref<8x24x384xf32, #tpu.memory_space<vmem>>, vector<1x24x384xf32>,
    } else {
    }
    %gt3A = arith.constant 0 : i32
    %gt3A_2 = arith.cmpi sgt, %arg0, %gt3A : i32
    %convert_element_type3A_3 = arith.extui %gt3A_2 : i1 to i32
    %cond3A_4 = arith.constant 0 : i32
    %cond3A_5 = arith.cmpi ne, %convert_element_type3A_3, %cond3A_4 : i32
    scf.if %cond3A_5 {
      %sub3A = arith.constant 1 : i32
      %sub3A_6 = arith.subi %arg0, %sub3A : i32
      %jit3A = arith.constant 3 : i32
      %div3A = arith.divsi %sub3A_6, %jit3A : i32
      %sign3A = arith.constant 0 : i32
      %sign3A_7 = arith.cmpi sgt, %sub3A_6, %sign3A : i32
      %sign3A_8 = arith.extui %sign3A_7 : i1 to i32
      %sign3A_9 = arith.constant 0 : i32
      %sign3A_10 = arith.cmpi slt, %sub3A_6, %sign3A_9 : i32
      %sign3A_11 = arith.extui %sign3A_10 : i1 to i32
      %sign3A_12 = arith.subi %sign3A_8, %sign3A_11 : i32
      %sign3A_13 = arith.constant 0 : i32
      %sign3A_14 = arith.cmpi sgt, %jit3A, %sign3A_13 : i32
      %sign3A_15 = arith.extui %sign3A_14 : i1 to i32
      %sign3A_16 = arith.constant 0 : i32
      %sign3A_17 = arith.cmpi slt, %jit3A, %sign3A_16 : i32
      %sign3A_18 = arith.extui %sign3A_17 : i1 to i32
      %sign3A_19 = arith.subi %sign3A_15, %sign3A_18 : i32
      %ne3A = arith.cmpi ne, %sign3A_12, %sign3A_19 : i32
      %rem3A = arith.remsi %sub3A_6, %jit3A : i32
      %ne3A_20 = arith.constant 0 : i32
      %ne3A_21 = arith.cmpi ne, %rem3A, %ne3A_20 : i32
      %and3A = arith.andi %ne3A, %ne3A_21 : i1
      %sub3A_22 = arith.constant 1 : i32
      %sub3A_23 = arith.subi %div3A, %sub3A_22 : i32
      %select_n3A = arith.select %and3A, %sub3A_23, %div3A : i32
      %mul3A = arith.constant 8 : i32
      %mul3A_24 = arith.muli %mul3A, %select_n3A : i32
      %get3A = arith.constant 0 : index
      %get3A_25 = arith.index_cast %mul3A_24 : i32 to index
      %get3A_26 = arith.constant 0 : index
      %get3A_27 = vector.load %arg4[%get3A, %get3A_25, %get3A_26] : memref<8x24x384xf32, #tpu.memory_space<vmem>>, vector<8x8x384xf32>
      %broadcast_in_dim3A = vector.shape_cast %get3A_27 : vector<8x8x384xf32> to vector<8x8x1x384xf32>
      %broadcast_in_dim3A_28 = vector.broadcast %broadcast_in_dim3A : vector<8x8x1x384xf32> to vector<8x8x16x384xf32>
      %reshape3A = vector.shape_cast %broadcast_in_dim3A_28 : vector<8x8x16x384xf32> to vector<8x128x384xf32>
      %get3A_29 = arith.constant 0 : index
      %get3A_30 = arith.constant 0 : index
      %get3A_31 = arith.constant 0 : index
      %get3A_32 = arith.constant 0 : index
      %get3A_33 = vector.load %arg2[%get3A_29, %get3A_30, %get3A_31, %get3A_32] : memref<8x1x128x384xf32, #tpu.memory_space<vmem>>, vector<8x1x128x384xf32>
      %get3A_34 = vector.shape_cast %get3A_33 : vector<8x1x128x384xf32> to vector<8x128x384xf32>
      %mul3A_35 = arith.mulf %get3A_34, %reshape3A : vector<8x128x384xf32>
      %reshape3A_36 = vector.shape_cast %mul3A_35 : vector<8x128x384xf32> to vector<8x49152xf32>
      %swap3A = arith.constant 0 : index
      %swap3A_37 = arith.constant 0 : index
      %swap3A_38 = vector.load %arg3[%swap3A, %swap3A_37] : memref<8x49152xf32, #tpu.memory_space<vmem>>, vector<8x49152xf32>
      tpu.vector_store %arg3[%swap3A, %swap3A_37], %reshape3A_36 {strides = array<i32>} : memref<8x49152xf32, #tpu.memory_space<vmem>>, vector<8x49152xf32>,
    } else {
    }
    return
  }
  func.func @transform_0(%arg0: i32) -> (i32, i32) {
    %c0_i32 = arith.constant 0 : i32
    %c0_i32_0 = arith.constant 0 : i32
    %c0_i32_1 = arith.constant 0 : i32
    return %c0_i32, %c0_i32_0 : i32, i32
  }
  func.func @transform_1(%arg0: i32) -> (i32, i32, i32, i32) {
    %sub3A = arith.constant 1 : i32
    %sub3A_0 = arith.subi %arg0, %sub3A : i32
    %max3A = arith.constant 0 : i32
    %max3A_1 = arith.maxsi %sub3A_0, %max3A : i32
    %jit3A = arith.constant 3 : i32
    %eq3A = arith.constant 0 : i32
    %eq3A_2 = arith.cmpi eq, %jit3A, %eq3A : i32
    %jit3A_3 = arith.constant 1 : i32
    %select_n3A = arith.select %eq3A_2, %jit3A_3, %jit3A : i32
    %rem3A = arith.remsi %max3A_1, %select_n3A : i32
    %ne3A = arith.constant 0 : i32
    %ne3A_4 = arith.cmpi ne, %rem3A, %ne3A : i32
    %lt3A = arith.constant 0 : i32
    %lt3A_5 = arith.cmpi slt, %rem3A, %lt3A : i32
    %lt3A_6 = arith.constant 0 : i32
    %lt3A_7 = arith.cmpi slt, %select_n3A, %lt3A_6 : i32
    %ne3A_8 = arith.xori %lt3A_5, %lt3A_7 : i1
    %and3A = arith.andi %ne3A_8, %ne3A_4 : i1
    %add3A = arith.addi %rem3A, %select_n3A : i32
    %select_n3A_9 = arith.select %and3A, %add3A, %rem3A : i32
    %jit3A_10 = arith.constant 3 : i32
    %div3A = arith.divsi %max3A_1, %jit3A_10 : i32
    %sign3A = arith.constant 0 : i32
    %sign3A_11 = arith.cmpi sgt, %max3A_1, %sign3A : i32
    %sign3A_12 = arith.extui %sign3A_11 : i1 to i32
    %sign3A_13 = arith.constant 0 : i32
    %sign3A_14 = arith.cmpi slt, %max3A_1, %sign3A_13 : i32
    %sign3A_15 = arith.extui %sign3A_14 : i1 to i32
    %sign3A_16 = arith.subi %sign3A_12, %sign3A_15 : i32
    %sign3A_17 = arith.constant 0 : i32
    %sign3A_18 = arith.cmpi sgt, %jit3A_10, %sign3A_17 : i32
    %sign3A_19 = arith.extui %sign3A_18 : i1 to i32
    %sign3A_20 = arith.constant 0 : i32
    %sign3A_21 = arith.cmpi slt, %jit3A_10, %sign3A_20 : i32
    %sign3A_22 = arith.extui %sign3A_21 : i1 to i32
    %sign3A_23 = arith.subi %sign3A_19, %sign3A_22 : i32
    %ne3A_24 = arith.cmpi ne, %sign3A_16, %sign3A_23 : i32
    %rem3A_25 = arith.remsi %max3A_1, %jit3A_10 : i32
    %ne3A_26 = arith.constant 0 : i32
    %ne3A_27 = arith.cmpi ne, %rem3A_25, %ne3A_26 : i32
    %and3A_28 = arith.andi %ne3A_24, %ne3A_27 : i1
    %sub3A_29 = arith.constant 1 : i32
    %sub3A_30 = arith.subi %div3A, %sub3A_29 : i32
    %select_n3A_31 = arith.select %and3A_28, %sub3A_30, %div3A : i32
    %c0_i32 = arith.constant 0 : i32
    %c0_i32_32 = arith.constant 0 : i32
    %c0_i32_33 = arith.constant 0 : i32
    return %c0_i32, %select_n3A_9, %select_n3A_31, %c0_i32_32 : i32, i32, i32, i32
  }
  func.func @transform_2(%arg0: i32) -> (i32, i32) {
    %sub3A = arith.constant 1 : i32
    %sub3A_0 = arith.subi %arg0, %sub3A : i32
    %max3A = arith.constant 0 : i32
    %max3A_1 = arith.maxsi %sub3A_0, %max3A : i32
    %jit3A = arith.constant 3 : i32
    %eq3A = arith.constant 0 : i32
    %eq3A_2 = arith.cmpi eq, %jit3A, %eq3A : i32
    %jit3A_3 = arith.constant 1 : i32
    %select_n3A = arith.select %eq3A_2, %jit3A_3, %jit3A : i32
    %rem3A = arith.remsi %max3A_1, %select_n3A : i32
    %ne3A = arith.constant 0 : i32
    %ne3A_4 = arith.cmpi ne, %rem3A, %ne3A : i32
    %lt3A = arith.constant 0 : i32
    %lt3A_5 = arith.cmpi slt, %rem3A, %lt3A : i32
    %lt3A_6 = arith.constant 0 : i32
    %lt3A_7 = arith.cmpi slt, %select_n3A, %lt3A_6 : i32
    %ne3A_8 = arith.xori %lt3A_5, %lt3A_7 : i1
    %and3A = arith.andi %ne3A_8, %ne3A_4 : i1
    %add3A = arith.addi %rem3A, %select_n3A : i32
    %select_n3A_9 = arith.select %and3A, %add3A, %rem3A : i32
    %mul3A = arith.constant 3 : i32
    %mul3A_10 = arith.muli %select_n3A_9, %mul3A : i32
    %jit3A_11 = arith.constant 3 : i32
    %div3A = arith.divsi %max3A_1, %jit3A_11 : i32
    %sign3A = arith.constant 0 : i32
    %sign3A_12 = arith.cmpi sgt, %max3A_1, %sign3A : i32
    %sign3A_13 = arith.extui %sign3A_12 : i1 to i32
    %sign3A_14 = arith.constant 0 : i32
    %sign3A_15 = arith.cmpi slt, %max3A_1, %sign3A_14 : i32
    %sign3A_16 = arith.extui %sign3A_15 : i1 to i32
    %sign3A_17 = arith.subi %sign3A_13, %sign3A_16 : i32
    %sign3A_18 = arith.constant 0 : i32
    %sign3A_19 = arith.cmpi sgt, %jit3A_11, %sign3A_18 : i32
    %sign3A_20 = arith.extui %sign3A_19 : i1 to i32
    %sign3A_21 = arith.constant 0 : i32
    %sign3A_22 = arith.cmpi slt, %jit3A_11, %sign3A_21 : i32
    %sign3A_23 = arith.extui %sign3A_22 : i1 to i32
    %sign3A_24 = arith.subi %sign3A_20, %sign3A_23 : i32
    %ne3A_25 = arith.cmpi ne, %sign3A_17, %sign3A_24 : i32
    %rem3A_26 = arith.remsi %max3A_1, %jit3A_11 : i32
    %ne3A_27 = arith.constant 0 : i32
    %ne3A_28 = arith.cmpi ne, %rem3A_26, %ne3A_27 : i32
    %and3A_29 = arith.andi %ne3A_25, %ne3A_28 : i1
    %sub3A_30 = arith.constant 1 : i32
    %sub3A_31 = arith.subi %div3A, %sub3A_30 : i32
    %select_n3A_32 = arith.select %and3A_29, %sub3A_31, %div3A : i32
    %add3A_33 = arith.addi %mul3A_10, %select_n3A_32 : i32
    %c0_i32 = arith.constant 0 : i32
    %c0_i32_34 = arith.constant 0 : i32
    return %c0_i32, %add3A_33 : i32, i32
  }
}

</mosaic_0001>

<sc_bundles>
// kernel: kernel.4.cloned.1.call-start
scs
__scs_entry_jumppad:
0x0: {  	(pc) =	sbr.rel $0x88, $3  }
0x1: {  	(tag) =	ssettag $0x0;
	lr =	simm.s32 $0x1  }
0x2: {  	[smem:$0x3F9F] =	sst lr;
	_ =	strace $0xD0000000  }
0x3: {  	_ = 	snop  }
0x4: {  	_ = 	snop  }
0x5: {  	_ = 	snop  }
0x6: {  	_ = 	snop  }
0x7: {  	_ = 	snop  }
__scs_overlays_trampoline_lowered:
0x8: {  	[smem:$0x3FAE] =	sst s0  }
0x9: {  	[smem:$0x3FAF] =	sst s1  }
0xa: {  	[smem:$0x3FB0] =	sst s2  }
0xb: {  	[smem:$0x3FB1] =	sst s3  }
0xc: {  	[smem:$0x3FB2] =	sst s4  }
0xd: {  	[smem:$0x3FB3] =	sst s5  }
0xe: {  	[smem:$0x3FB4] =	sst s6  }
0xf: {  	[smem:$0x3FB5] =	sst s7  }
0x10: {  	[smem:$0x3FB6] =	sst s8  }
0x11: {  	[smem:$0x3FB7] =	sst s9;
	s0 =	simm.s32 @!p0 $0x0  }
0x12: {  	s1 =	sld [smem:$0x3F9D];
	s0 =	simm.s32 @p0 $0x1  }
0x13: {  	[smem:$0x3FB8] =	sst s0;
	s0 =	simm.s32 @!p1 $0x0  }
0x14: {  	s2 =	sld [smem:$0x3F9C];
	s0 =	simm.s32 @p1 $0x1  }
0x15: {  	[smem:$0x3FB9] =	sst s0;
	s0 =	simm.s32 @!p2 $0x0  }
0x16: {  	s3 =	sld [smem:$0x3FDB];
	s0 =	simm.s32 @p2 $0x1  }
0x17: {  	s4 =	simm.s32 $0x1BF5;
	[smem:$0x3FBB] =	sst s0  }
0x18: {  	s0 =	sld [smem:$0x3F9E];
	_ =	swait.ge [sflag:s4], $0x0  }
0x19: {  	s7 =	sld [smem:$0x3F9F]  }
0x1a: {  	s8 =	sadd.s32 $0xFFFFE003, lr  }
0x1b: {  	s9 =	sadd.s32 $0xFFFFFEF7, lr;
	s5 =	simm.s32 $0xFFFFFFFF;
	p2 =	slt.u32 s8, $0xFFFFF086  }
0x1c: {  	p1 =	slt.u32 s9, $0xF7A;
	s5 =	simm.s32 @!p2 $0x0  }
0x1d: {  	s5 =	simm.s32 @p1 $0x1;
	p0 =	seq.s32 s7, s2  }
0x1e: {  	s7 =	smul.u32 @!p0 $0xF7A, s2;
	p2 =	seq.s32 @!p0 s5, $0x0  }
0x1f: {  	s9 =	smul.u32 $0xF7A, s1;
	s8 =	simm.s32 @!p0 $0x1BF5;
	p2 =	por !p2, p0  }
0x20: {  	[sflag:s8] =	ssyncset.s32 @!p0 $0xFFFFF086;
	s6 =	sadd.s32 @!p0 s3, s7;
	s7 =	simm.s32 @!p0 $0x108  }
0x21: {  	s3 =	sadd.s32 s3, s9;
	s6 =	sadd.s32 @!p0 $0x88, s6;
	s7 =	simm.s32 @p2 $0x1082  }
0x22: {  	[simem:s7], [sflag:s8] =	dma.local @!p0 [hbm:s6], $0xF7A  }
0x23: {  	s9 =	sor.u32 $0xD0000000, s2;
	s6 =	simm.s32 $0x108;
	_ =	swait.ge @!p0 [sflag:s8], $0x0  }
0x24: {  	s3 =	sadd.s32 $0x88, s3;
	s6 =	simm.s32 @!p1 $0x1082;
	[sflag:s4] =	ssyncset.s32 $0xFFFFF086  }
0x25: {  	[simem:s6], [sflag:s4] =	dma.local [hbm:s3], $0xF7A  }
0x26: {  	[smem:$0x3F9F] =	sst s1;
	(tag) =	ssettag s2;
	_ =	strace s9  }
0x27: {  	s1 =	sld [smem:$0x3FAF]  }
0x28: {  	s2 =	sld [smem:$0x3FB0]  }
0x29: {  	s4 =	sld [smem:$0x3FB2]  }
0x2a: {  	p0 =	seq.s32 s5, $0x0;
	s5 =	sld [smem:$0x3FB3]  }
0x2b: {  	s6 =	sld [smem:$0x3FB4]  }
0x2c: {  	s7 =	sld [smem:$0x3FB5]  }
0x2d: {  	s3 =	simm.s32 $0x108;
	s8 =	sld [smem:$0x3FB6]  }
0x2e: {  	s3 =	simm.s32 @!p0 $0x1082;
	s9 =	sld [smem:$0x3FB7]  }
0x2f: {  	lr =	sadd.s32 s0, s3;
	s0 =	sld [smem:$0x3FAE]  }
0x30: {  	s3 =	sld [smem:$0x3FB1]  }
0x31: {  	[smem:$0x3FBA] =	sst s10  }
0x32: {  	s10 =	sld [smem:$0x3FB8];
	_ =	sdelay $0x3  }
0x33: {  	p0 =	seq.s32 s10, $0x1;
	s10 =	sld [smem:$0x3FBA];
	_ =	sdelay $0x3  }
0x34: {  	[smem:$0x3FBA] =	sst s10  }
0x35: {  	s10 =	sld [smem:$0x3FB9];
	_ =	sdelay $0x3  }
0x36: {  	p1 =	seq.s32 s10, $0x1;
	s10 =	sld [smem:$0x3FBA];
	_ =	sdelay $0x3  }
0x37: {  	[smem:$0x3FBA] =	sst s10  }
0x38: {  	s10 =	sld [smem:$0x3FBB]  }
0x39: {  	_ = 	snop;
	(pc) =	sbr.ind lr, $3  }
0x3a: {  	_ = 	snop  }
0x3b: {  	_ = 	snop  }
0x3c: {  	p2 =	seq.s32 s10, $0x1;
	s10 =	sld [smem:$0x3FBA]  }
0x3d: {  	_ =	shalt  }
0x3e: {  	_ =	shalt  }
0x3f: {  	_ =	shalt  }
0x40: {  	_ =	shalt  }
0x41: {  	_ =	shalt  }
0x42: {  	_ =	shalt  }
0x43: {  	_ =	shalt  }
0x44: {  	_ =	shalt  }
0x45: {  	_ =	shalt  }
0x46: {  	_ =	shalt  }
0x47: {  	_ =	shalt  }
0x48: {  	_ =	shalt  }
0x49: {  	_ =	shalt  }
0x4a: {  	_ =	shalt  }
0x4b: {  	_ =	shalt  }
0x4c: {  	_ =	shalt  }
0x4d: {  	_ =	shalt  }
0x4e: {  	_ =	shalt  }
0x4f: {  	_ =	shalt  }
0x50: {  	_ =	shalt  }
0x51: {  	_ =	shalt  }
0x52: {  	_ =	shalt  }
0x53: {  	_ =	shalt  }
0x54: {  	_ =	shalt  }
0x55: {  	_ =	shalt  }
0x56: {  	_ =	shalt  }
0x57: {  	_ =	shalt  }
0x58: {  	_ =	shalt  }
0x59: {  	_ =	shalt  }
0x5a: {  	_ =	shalt  }
0x5b: {  	_ =	shalt  }
0x5c: {  	_ =	shalt  }
0x5d: {  	_ =	shalt  }
0x5e: {  	_ =	shalt  }
0x5f: {  	_ =	shalt  }
0x60: {  	_ =	shalt  }
0x61: {  	_ =	shalt  }
0x62: {  	_ =	shalt  }
0x63: {  	_ =	shalt  }
0x64: {  	_ =	shalt  }
0x65: {  	_ =	shalt  }
0x66: {  	_ =	shalt  }
0x67: {  	_ =	shalt  }
0x68: {  	_ =	shalt  }
0x69: {  	_ =	shalt  }
0x6a: {  	_ =	shalt  }
0x6b: {  	_ =	shalt  }
0x6c: {  	_ =	shalt  }
0x6d: {  	_ =	shalt  }
0x6e: {  	_ =	shalt  }
0x6f: {  	_ =	shalt  }
0x70: {  	_ =	shalt  }
0x71: {  	_ =	shalt  }
0x72: {  	_ =	shalt  }
0x73: {  	_ =	shalt  }
0x74: {  	_ =	shalt  }
0x75: {  	_ =	shalt  }
0x76: {  	_ =	shalt  }
0x77: {  	_ =	shalt  }
0x78: {  	_ =	shalt  }
0x79: {  	_ =	shalt  }
0x7a: {  	_ =	shalt  }
0x7b: {  	_ =	shalt  }
0x7c: {  	_ =	shalt  }
0x7d: {  	_ =	shalt  }
0x7e: {  	_ =	shalt  }
0x7f: {  	_ =	shalt  }
0x80: {  	_ =	shalt  }
0x81: {  	_ =	shalt  }
0x82: {  	_ =	shalt  }
0x83: {  	_ =	shalt  }
0x84: {  	_ =	shalt  }
0x85: {  	_ =	shalt  }
0x86: {  	_ =	shalt  }
0x87: {  	_ =	shalt  }
.Lfunc_end0:
.L_simem_size_0:
called_computation_lowered:
.L_overlay_start_0:
0x88: {  	s2 =	sld [smem:$0x3FD9]  }
0x89: {  	s3 =	sld [smem:$0x3FFE];
	_ =	sdelay $0x1  }
0x8a: {  	s1 =	srdreg.scid  }
0x8b: {  	s0 =	sand.u32 $0x1, s1  }
0x8c: {  	s17 =	sshll.u32 s0, $0xA;
	s2 =	sadd.s32 s3, s2  }
0x8d: {  	s2 =	sadd.s32 s2, s17  }
0x8e: {  	[smem:$0x3FC6] =	sst s2  }
0x8f: {  	_ = 	snop  }
0x90: {  	s2 =	sld [smem:$0x3FD0];
	(tm) =	ssettm $0x1  }
0x91: {  	s18 =	sld [smem:$0x3FFB];
	_ =	sdelay $0x3  }
0x92: {  	_ =	strace s18  }
0x93: {  	s3 =	sld [smem:$0x3FFC];
	_ =	sdelay $0x3  }
0x94: {  	_ =	strace s3  }
0x95: {  	s3 =	sld [smem:$0x3FFD];
	_ =	sdelay $0x3  }
0x96: {  	_ =	strace s3  }
0x97: {  	_ =	strace $0x8FFFFFFF  }
0x98: {  	s19 =	sld [smem:$0x3FDB];
	_ =	sdelay $0x1  }
0x99: {  	s4 =	simm.s32 $_scs_section_size  }
0x9a: {  	s5 =	simm.s32 $_size__tile_overlayer_lowered;
	s6 =	simm.s32 $_tile_overlayer_lowered  }
0x9b: {  	s22 =	simm.s32 $0x1BFF;
	s21 =	sshll.u32 s6, $0x1;
	s3 =	sadd.s32 s4, s19  }
0x9c: {  	s7 =	simm.s32 $0x0;
	s20 =	sshll.u32 s5, $0x1;
	s5 =	sadd.s32 s21, s3  }
0x9d: {  	[timem:s7], [sflag:s22] =	dma.local [hbm:s5], s20  }
0x9e: {  	_ =	swait.ge [sflag:s22], s20  }
0x9f: {  	s4 =	ssub.s32 $0x0, s20;
	[sflag:s22] =	ssyncset.done $0x0  }
0xa0: {  	[sflag:s22] =	ssyncadd.s32 s4;
	_ =	sdelay $0x1  }
0xa1: {  	s23 =	simm.s32 $0x1B8B  }
0xa2: {  	_ =	swait.ge [sflag:s23], $0x1  }
0xa3: {  	[sflag:s23] =	ssyncset.done $0x0  }
0xa4: {  	s25 =	simm.s32 $0x1B8E;
	s24 =	sld [smem:$0x3FFE];
	[sflag:s23] =	ssyncadd.s32 $0xFFFFFFFF  }
0xa5: {  	s26 =	simm.s32 $execute0_lowered;
	[smem:$0x3FD2] =	sst s25  }
0xa6: {  	s5 =	sshll.u32 s26, $0x1;
	_ =	strace $0x80000046;
	[dreg:$0x1] =	wrdreg $0xFFFFFFFF  }
0xa7: {  	s28 =	simm.s32 $_size_execute0_lowered;
	s3 =	sadd.s32 s3, s5;
	[dreg:$0x0] =	wrdreg $0x0  }
0xa8: {  	s5 =	sshll.u32 s28, $0x1;
	[dreg:$0x2] =	wrdreg s3  }
0xa9: {  	[dreg:$0x3] =	wrdreg s5  }
0xaa: {  	[dreg:$0x4] =	wrdreg $0xC0  }
0xab: {  	_ =	task [dreg:s7], $0x5FFFF  }
0xac: {  	[dreg:$0x1] =	wrdreg $0xFFFFFFFF  }
0xad: {  	[dreg:$0x0] =	wrdreg $0x60  }
0xae: {  	[dreg:$0x2] =	wrdreg s2  }
0xaf: {  	[dreg:$0x3] =	wrdreg s24  }
0xb0: {  	[dreg:$0x4] =	wrdreg $0x9  }
0xb1: {  	_ =	task.clear_ibuf [dreg:s7], $0x5FFFF;
	_ =	strace $0x90000046  }
0xb2: {  	s29 =	simm.s32 $0x9;
	_ =	strace $0x80000048  }
0xb3: {  	_ =	swait.ge [sflag:s29], $0x1  }
0xb4: {  	[sflag:s29] =	ssyncadd.s32 $0xFFFFFFFF  }
0xb5: {  	_ =	strace $0x90000048  }
0xb6: {  	_ =	sfence  }
0xb7: {  	s30 =	sld [smem:$0x0];
	_ =	sdelay $0x2  }
0xb8: {  	s31 =	sshll.u32 s1, $0xD;
	s1 =	sshrl.u32 s1, $0x2  }
0xb9: {  	s3 =	sand.u32 $0x4000, s31;
	s1 =	sadd.s32 s1, s30  }
0xba: {  	s0 =	sor.u32 s3, s0;
	s1 =	sshll.u32 s1, $0x11  }
0xbb: {  	s0 =	sor.u32 s1, s0  }
0xbc: {  	s0 =	sadd.s32 $0x8F2B, s0  }
0xbd: {  	[sflag:s0] =	ssyncadd.remote.s32 $0x1  }
0xbe: {  	_ =	sfence.sel $0xFFFF  }
0xbf: {  	[dreg:$0x0] =	wrdreg $0xFFFFFFFF;
	(pc) =	sbr.abs _section_cstart, $3  }
0xc0: {  	[dreg:$0x1] =	wrdreg $0xFFFFFFFF  }
0xc1: {  	_ =	task.clear_ibuf [dreg:s7], $0x2FFFF;
	_ =	strace $0x9FFFFFFF  }
0xc2: {  	(tm) =	ssettm $0x7FFFFFFF  }
0xc3: {  	_ =	shalt  }
tec
execute0_lowered:
.L_overlay_start_1:
0x0: {  	(tag) =	ssettag $0x1  }
0x1: {  	s1 =	stileid.u32  }
0x2: {  	p0 =	sgt.u32 s1, $0x3  }
.Ltmp0:
0x3: {  	_ = 	snop;
	(pc) =	sbr.rel @p0 .LBB2_12-.Ltmp0, $4  }
0x4: {  	_ = 	snop  }
0x5: {  	s0 =	rddreg [dreg:$0x0];
	s2 =	simm.s32 $0x0  }
0x6: {  	[smem:$0x7FF] =	sst s2  }
0x7: {  	s3 =	rddreg [dreg:$0x1];
	_ =	strace $0x80000047  }
0x8: {  	s4 =	srdreg.scid;
	s1 =	stileid.u32  }
0x9: {  	s4 =	sand.u32 $0x1, s4;
	s5 =	sshll.u32 s1, $0x1  }
.Ltmp1:
0xa: {  	s7 =	simm.s32 $0x80;
	s5 =	sor.u32 s4, s5;
	(pc) =	sbr.rel .LBB2_2-.Ltmp1, $4  }
0xb: {  	s8 =	simm.s32 $0x400;
	s4 =	ssub.s32 $0x2, s4;
	s6 =	sshll.u32 s5, $0x4  }
0xc: {  	s31 =	sshrl.u32 s4, $0x1;
	s5 =	smul.u32 $0x500, s5;
	s3 =	sadd.s32 s6, s3  }
0xd: {  	v1 =	vlaneseq.u32;
	s9 =	simm.s32 $0x2A80;
	s6 =	ssub.s32 s4, s31;
	s3 =	sadd.s32 $0x800, s3  }
0xe: {  	v0 =	vimm.s32 $0x0;
	v2 =	vimm.f32 $0.0e+00;
	v1 =	vadd.s32 $0xFFFFFFFF, v1;
	s4 =	sadd.s32 s0, s5;
	s5 =	smax.u32 s6, $0x1;
	s6 =	simm.s32 $0x1  }
.LBB2_11:
0xf: {  	s2 =	sadd.s32 $0x1, s2  }
0x10: {  	p0 =	sne.s32 s2, s5  }
.Ltmp2:
0x11: {  	_ = 	snop;
	(pc) =	sbr.rel @!p0 .LBB2_12-.Ltmp2, $4  }
0x12: {  	[hbm4b:s3+s7] =	stream.strided.scatter [tilespmem:s9], [sflag:$0x1], $0x280, s8, s7, $0x38;
	[tilespmem:$0x2D00] =	vst v63  }
0x13: {  	_ =	swait.ge [sflag:s6], $0x280  }
0x14: {  	[sflag:s6] =	ssyncset.done $0x0  }
0x15: {  	[sflag:s6] =	ssyncadd.s32 $0xFFFFFD80  }
.LBB2_2:
0x16: {  	s0 =	simm.s32 $0x0  }
0x17: {  	[tilespmem:s0], [sflag:$0x1] =	stream.linear.gather [hbm4b:s4+s0], $0x2800, $0x38;
	[tilespmem:$0x2D00] =	vst v63  }
0x18: {  	_ =	swait.ge [sflag:s6], $0x2800  }
0x19: {  	s10 =	sand.u32 $0x70, s0;
	s0 =	sand.u32 $0x1C00, s0;
	[sflag:s6] =	ssyncset.done $0x0  }
0x1a: {  	s0 =	sor.u32 s10, s0;
	[sflag:s6] =	ssyncadd.s32 $0xFFFFD800  }
0x1b: {  	v3 =	vld [tilespmem:s0+$0x80]  }
0x1c: {  	v4 =	vld [tilespmem:s0+$0x0];
	_ =	sdelay $0x1  }
0x1d: {  	v5 =	vld [tilespmem:s0+$0x100];
	_ =	sdelay $0x1  }
0x1e: {  	v6 =	vld [tilespmem:s0+$0x180]  }
0x1f: {  	v3 =	vadd.f32 v3, v4  }
0x20: {  	v55 =	vld [tilespmem:s0+$0x200]  }
0x21: {  	v3 =	vadd.f32 v5, v3  }
0x22: {  	v56 =	vld [tilespmem:s0+$0x280]  }
0x23: {  	v3 =	vadd.f32 v6, v3  }
0x24: {  	v57 =	vld [tilespmem:s0+$0x300]  }
0x25: {  	v3 =	vadd.f32 v55, v3  }
0x26: {  	v58 =	vld [tilespmem:s0+$0x380]  }
0x27: {  	v3 =	vadd.f32 v56, v3  }
0x28: {  	v59 =	vld [tilespmem:s0+$0x1400]  }
0x29: {  	v3 =	vadd.f32 v57, v3  }
0x2a: {  	v60 =	vld [tilespmem:s0+$0x1480]  }
0x2b: {  	v3 =	vadd.f32 v58, v3  }
0x2c: {  	v61 =	vld [tilespmem:s0+$0x1500]  }
0x2d: {  	v3 =	vadd.f32 v59, v3  }
0x2e: {  	v62 =	vld [tilespmem:s0+$0x1580]  }
0x2f: {  	v3 =	vadd.f32 v60, v3;
	_ =	sdelay $0x1  }
0x30: {  	v3 =	vadd.f32 v61, v3;
	_ =	sdelay $0x1  }
0x31: {  	v3 =	vadd.f32 v62, v3;
	_ =	sdelay $0x1  }
0x32: {  	vm0 =	vlt.s32 v3, $0x0;
	v63 =	vsub.s32 $0x80000000, v3  }
0x33: {  	s31 =	simm.s32 $0x10;
	s11 =	simm.s32 $0x80;
	v3 =	vsel vm0, v63, v3  }
0x34: {  	s12 =	sand.u32 $0x1C00, s11;
	s10 =	simm.s32 $0x2800;
	s0 =	sand.u32 $0x70, s31;
	v3 =	vxor.u32 $0x80000000, v3  }
0x35: {  	s13 =	sor.u32 s0, s12;
	s12 =	simm.s32 $0x20;
	[tilespmem:s10+$0x0] =	vst v3  }
.LBB2_3:
0x36: {  	p0 =	sne.s32 s12, $0x230;
	v3 =	vld [tilespmem:s13+$0x80]  }
0x37: {  	v4 =	vld [tilespmem:s13+$0x0];
	_ =	sdelay $0x1  }
0x38: {  	v5 =	vld [tilespmem:s13+$0x100];
	_ =	sdelay $0x1  }
0x39: {  	v6 =	vld [tilespmem:s13+$0x180]  }
0x3a: {  	v3 =	vadd.f32 v3, v4  }
0x3b: {  	v4 =	vld [tilespmem:s13+$0x200]  }
0x3c: {  	v3 =	vadd.f32 v5, v3  }
0x3d: {  	v5 =	vld [tilespmem:s13+$0x280]  }
0x3e: {  	v3 =	vadd.f32 v6, v3  }
0x3f: {  	v6 =	vld [tilespmem:s13+$0x300]  }
0x40: {  	v3 =	vadd.f32 v4, v3  }
0x41: {  	v4 =	vld [tilespmem:s13+$0x380]  }
0x42: {  	v3 =	vadd.f32 v5, v3  }
0x43: {  	v5 =	vld [tilespmem:s13+$0x1400]  }
0x44: {  	v3 =	vadd.f32 v6, v3  }
0x45: {  	v6 =	vld [tilespmem:s13+$0x1480]  }
0x46: {  	v3 =	vadd.f32 v4, v3  }
0x47: {  	v4 =	vld [tilespmem:s13+$0x1500]  }
0x48: {  	v3 =	vadd.f32 v5, v3  }
0x49: {  	v5 =	vld [tilespmem:s13+$0x1580]  }
0x4a: {  	v3 =	vadd.f32 v6, v3;
	_ =	sdelay $0x1  }
0x4b: {  	v3 =	vadd.f32 v4, v3;
	_ =	sdelay $0x1  }
0x4c: {  	v3 =	vadd.f32 v5, v3  }
.Ltmp3:
0x4d: {  	(pc) =	sbr.rel @p0 .LBB2_3-.Ltmp3, $4  }
0x4e: {  	vm0 =	vlt.s32 v3, $0x0;
	v4 =	vsub.s32 $0x80000000, v3  }
0x4f: {  	s11 =	sadd.s32 $0x80, s11;
	v3 =	vsel vm0, v4, v3  }
0x50: {  	s0 =	sand.u32 $0x70, s12;
	s10 =	sadd.s32 $0x10, s10;
	s13 =	sand.u32 $0x1C00, s11;
	v3 =	vxor.u32 $0x80000000, v3  }
0x51: {  	s12 =	sadd.s32 $0x10, s12;
	s13 =	sor.u32 s0, s13;
	[tilespmem:s10+$0x0] =	vst v3  }
0x52: {  	v3 =	vld [tilespmem:s13+$0x80]  }
0x53: {  	v4 =	vld [tilespmem:s13+$0x0];
	_ =	sdelay $0x1  }
0x54: {  	v5 =	vld [tilespmem:s13+$0x100];
	_ =	sdelay $0x1  }
0x55: {  	v6 =	vld [tilespmem:s13+$0x180]  }
0x56: {  	v3 =	vadd.f32 v3, v4  }
0x57: {  	v4 =	vld [tilespmem:s13+$0x200]  }
0x58: {  	v3 =	vadd.f32 v5, v3  }
0x59: {  	v5 =	vld [tilespmem:s13+$0x280]  }
0x5a: {  	v3 =	vadd.f32 v6, v3  }
0x5b: {  	v6 =	vld [tilespmem:s13+$0x300]  }
0x5c: {  	v3 =	vadd.f32 v4, v3  }
0x5d: {  	v4 =	vld [tilespmem:s13+$0x380]  }
0x5e: {  	v3 =	vadd.f32 v5, v3  }
0x5f: {  	v5 =	vld [tilespmem:s13+$0x1400]  }
0x60: {  	v3 =	vadd.f32 v6, v3  }
0x61: {  	v6 =	vld [tilespmem:s13+$0x1480]  }
0x62: {  	v3 =	vadd.f32 v4, v3  }
0x63: {  	v4 =	vld [tilespmem:s13+$0x1500]  }
0x64: {  	v3 =	vadd.f32 v5, v3  }
0x65: {  	v5 =	vld [tilespmem:s13+$0x1580]  }
0x66: {  	v3 =	vadd.f32 v6, v3;
	_ =	sdelay $0x1  }
0x67: {  	v3 =	vadd.f32 v4, v3;
	_ =	sdelay $0x1  }
0x68: {  	v3 =	vadd.f32 v5, v3;
	_ =	sdelay $0x1  }
0x69: {  	vm0 =	vlt.s32 v3, $0x0;
	v4 =	vsub.s32 $0x80000000, v3  }
0x6a: {  	v3 =	vsel vm0, v4, v3  }
0x6b: {  	s0 =	sadd.s32 $0x10, s10;
	v3 =	vxor.u32 $0x80000000, v3  }
0x6c: {  	[tilespmem:s0+$0x0] =	vst v3  }
0x6d: {  	v4 =	vld [tilespmem:$0x2800]  }
0x6e: {  	v5 =	vld [tilespmem:$0x2810]  }
0x6f: {  	v6 =	vld [tilespmem:$0x2820]  }
0x70: {  	v7 =	vld [tilespmem:$0x2830]  }
0x71: {  	s10 =	simm.s32 $0x0;
	s12 =	simm.s32 $0x80000000;
	v8 =	vld [tilespmem:$0x2840]  }
0x72: {  	s11 =	sor.u32 s10, s12;
	v9 =	vld [tilespmem:$0x2850]  }
0x73: {  	v10 =	vld [tilespmem:$0x2860];
	vm6 =	vge.u32 v4, s11;
	vm1 =	vge.u32 v5, s11  }
0x74: {  	v11 =	vld [tilespmem:$0x2870];
	vm2 =	vge.u32 v6, s11;
	v3 =	vsel vm6, $0x1, v0;
	v13 =	vsel vm1, $0x1, v0  }
0x75: {  	v12 =	vld [tilespmem:$0x2880];
	vm7 =	vge.u32 v7, s11;
	v14 =	vsel vm2, $0x1, v0;
	v3 =	vadd.s32 v13, v3  }
0x76: {  	vm8 =	vge.u32 v8, s11;
	v15 =	vsel vm7, $0x1, v0;
	v13 =	vld [tilespmem:$0x2890];
	v3 =	vadd.s32 v14, v3  }
0x77: {  	vm9 =	vge.u32 v9, s11;
	v16 =	vsel vm8, $0x1, v0;
	v14 =	vld [tilespmem:$0x28A0];
	v3 =	vadd.s32 v15, v3  }
0x78: {  	vm10 =	vge.u32 v10, s11;
	v17 =	vsel vm9, $0x1, v0;
	v15 =	vld [tilespmem:$0x28B0];
	v3 =	vadd.s32 v16, v3  }
0x79: {  	vm11 =	vge.u32 v11, s11;
	v18 =	vsel vm10, $0x1, v0;
	v16 =	vld [tilespmem:$0x28C0];
	v3 =	vadd.s32 v17, v3  }
0x7a: {  	vm12 =	vge.u32 v12, s11;
	v19 =	vsel vm11, $0x1, v0;
	v17 =	vld [tilespmem:$0x28D0];
	v3 =	vadd.s32 v18, v3  }
0x7b: {  	v20 =	vsel vm12, $0x1, v0;
	v18 =	vld [tilespmem:$0x28E0];
	vm13 =	vge.u32 v13, s11;
	v3 =	vadd.s32 v19, v3  }
0x7c: {  	v19 =	vld [tilespmem:$0x28F0];
	vm14 =	vge.u32 v14, s11;
	v21 =	vsel vm13, $0x1, v0;
	v3 =	vadd.s32 v20, v3  }
0x7d: {  	v20 =	vld [tilespmem:$0x2900];
	vm15 =	vge.u32 v15, s11;
	v22 =	vsel vm14, $0x1, v0;
	v3 =	vadd.s32 v21, v3  }
0x7e: {  	v21 =	vld [tilespmem:$0x2910];
	vm4 =	vge.u32 v16, s11;
	v23 =	vsel vm15, $0x1, v0;
	v3 =	vadd.s32 v22, v3  }
0x7f: {  	v22 =	vld [tilespmem:$0x2920];
	vm5 =	vge.u32 v17, s11;
	v24 =	vsel vm4, $0x1, v0;
	v3 =	vadd.s32 v23, v3  }
0x80: {  	v23 =	vld [tilespmem:$0x2930];
	vm6 =	vge.u32 v18, s11;
	v25 =	vsel vm5, $0x1, v0;
	v3 =	vadd.s32 v24, v3  }
0x81: {  	v24 =	vld [tilespmem:$0x2940];
	vm7 =	vge.u32 v19, s11;
	v26 =	vsel vm6, $0x1, v0;
	v3 =	vadd.s32 v25, v3  }
0x82: {  	v25 =	vld [tilespmem:$0x2950];
	vm8 =	vge.u32 v20, s11;
	v27 =	vsel vm7, $0x1, v0;
	v3 =	vadd.s32 v26, v3  }
0x83: {  	v26 =	vld [tilespmem:$0x2960];
	vm9 =	vge.u32 v21, s11;
	v28 =	vsel vm8, $0x1, v0;
	v3 =	vadd.s32 v27, v3  }
0x84: {  	v27 =	vld [tilespmem:$0x2970];
	vm10 =	vge.u32 v22, s11;
	v29 =	vsel vm9, $0x1, v0;
	v28 =	vadd.s32 v28, v3  }
0x85: {  	v3 =	vld [tilespmem:$0x2980];
	vm11 =	vge.u32 v23, s11;
	v30 =	vsel vm10, $0x1, v0;
	v29 =	vadd.s32 v29, v28  }
0x86: {  	v28 =	vld [tilespmem:$0x2990];
	vm12 =	vge.u32 v24, s11;
	v31 =	vsel vm11, $0x1, v0;
	v30 =	vadd.s32 v30, v29  }
0x87: {  	v29 =	vld [tilespmem:$0x29A0];
	vm13 =	vge.u32 v25, s11;
	v32 =	vsel vm12, $0x1, v0;
	v31 =	vadd.s32 v31, v30  }
0x88: {  	v30 =	vld [tilespmem:$0x29B0];
	vm14 =	vge.u32 v26, s11;
	v33 =	vsel vm13, $0x1, v0;
	v32 =	vadd.s32 v32, v31  }
0x89: {  	v31 =	vld [tilespmem:$0x29C0];
	vm15 =	vge.u32 v27, s11;
	v34 =	vsel vm14, $0x1, v0;
	v33 =	vadd.s32 v33, v32  }
0x8a: {  	v32 =	vld [tilespmem:$0x29D0];
	vm4 =	vge.u32 v3, s11;
	v35 =	vsel vm15, $0x1, v0;
	v34 =	vadd.s32 v34, v33  }
0x8b: {  	v33 =	vld [tilespmem:$0x29E0];
	vm5 =	vge.u32 v28, s11;
	v36 =	vsel vm4, $0x1, v0;
	v35 =	vadd.s32 v35, v34  }
0x8c: {  	v34 =	vld [tilespmem:$0x29F0];
	vm6 =	vge.u32 v29, s11;
	v37 =	vsel vm5, $0x1, v0;
	v36 =	vadd.s32 v36, v35  }
0x8d: {  	v35 =	vld [tilespmem:$0x2A00];
	vm7 =	vge.u32 v30, s11;
	v38 =	vsel vm6, $0x1, v0;
	v37 =	vadd.s32 v37, v36  }
0x8e: {  	v36 =	vld [tilespmem:$0x2A10];
	vm8 =	vge.u32 v31, s11;
	v39 =	vsel vm7, $0x1, v0;
	v38 =	vadd.s32 v38, v37  }
0x8f: {  	v37 =	vld [tilespmem:$0x2A20];
	vm9 =	vge.u32 v32, s11;
	v40 =	vsel vm8, $0x1, v0;
	v39 =	vadd.s32 v39, v38  }
0x90: {  	v38 =	vld [tilespmem:$0x2A30];
	vm10 =	vge.u32 v33, s11;
	v57 =	vsel vm9, $0x1, v0;
	v39 =	vadd.s32 v40, v39  }
0x91: {  	vm11 =	vge.u32 v34, s11;
	v58 =	vsel vm10, $0x1, v0;
	v39 =	vadd.s32 v57, v39  }
0x92: {  	vm12 =	vge.u32 v35, s11;
	v59 =	vsel vm11, $0x1, v0;
	v39 =	vadd.s32 v58, v39  }
0x93: {  	vm13 =	vge.u32 v36, s11;
	v60 =	vsel vm12, $0x1, v0;
	v39 =	vadd.s32 v59, v39  }
0x94: {  	vm14 =	vge.u32 v37, s11;
	v61 =	vsel vm13, $0x1, v0;
	v39 =	vadd.s32 v60, v39  }
0x95: {  	vm15 =	vge.u32 v38, s11;
	v62 =	vsel vm14, $0x1, v0;
	v39 =	vadd.s32 v61, v39  }
0x96: {  	v63 =	vsel vm15, $0x1, v0;
	v39 =	vadd.s32 v62, v39  }
0x97: {  	v39 =	vadd.s32 v63, v39  }
0x98: {  	(v2sf) =	vpush v39, $0x3  }
0x99: {  	(v2sf) =	vpush v39, $0x0  }
0x9a: {  	(v2sf) =	vpush v39, $0x1;
	_ =	sdelay $0x1  }
0x9b: {  	(v2sf) =	vpush v39, $0x2  }
0x9c: {  	(v2sf) =	vpush v39, $0x5  }
0x9d: {  	(v2sf) =	vpush v39, $0x4  }
0x9e: {  	(v2sf) =	vpush v39, $0x7  }
0x9f: {  	(v2sf) =	vpush v39, $0x6  }
0xa0: {  	(v2sf) =	vpush v39, $0x9  }
0xa1: {  	(v2sf) =	vpush v39, $0x8  }
0xa2: {  	(v2sf) =	vpush v39, $0xB  }
0xa3: {  	(v2sf) =	vpush v39, $0xA  }
0xa4: {  	(v2sf) =	vpush v39, $0xD  }
0xa5: {  	(v2sf) =	vpush v39, $0xC  }
0xa6: {  	(v2sf) =	vpush v39, $0xF;
	s18 =	spop (v2sf)  }
0xa7: {  	(v2sf) =	vpush v39, $0xE;
	s19 =	spop (v2sf)  }
0xa8: {  	s14 =	spop (v2sf)  }
0xa9: {  	s13 =	sadd.s32 s14, s19  }
0xaa: {  	s20 =	spop (v2sf);
	s0 =	sadd.s32 s18, s13  }
0xab: {  	s21 =	spop (v2sf);
	s0 =	sadd.s32 s20, s0  }
0xac: {  	s22 =	spop (v2sf);
	s0 =	sadd.s32 s21, s0  }
0xad: {  	s23 =	spop (v2sf);
	s0 =	sadd.s32 s22, s0  }
0xae: {  	s24 =	spop (v2sf);
	s0 =	sadd.s32 s23, s0  }
0xaf: {  	s25 =	spop (v2sf);
	s0 =	sadd.s32 s24, s0  }
0xb0: {  	s26 =	spop (v2sf);
	s0 =	sadd.s32 s25, s0  }
0xb1: {  	s28 =	spop (v2sf);
	s0 =	sadd.s32 s26, s0  }
0xb2: {  	s29 =	spop (v2sf);
	s0 =	sadd.s32 s28, s0  }
0xb3: {  	s30 =	spop (v2sf);
	s0 =	sadd.s32 s29, s0  }
0xb4: {  	s31 =	spop (v2sf);
	s0 =	sadd.s32 s30, s0  }
0xb5: {  	s15 =	spop (v2sf);
	s14 =	sadd.s32 s31, s0  }
0xb6: {  	s13 =	simm.s32 $0x1F;
	s0 =	spop (v2sf);
	s14 =	sadd.s32 s15, s14  }
.LBB2_5:
0xb7: {  	p0 =	sne.s32 s13, $0x1;
	s0 =	sadd.s32 s0, s14;
	s12 =	sshrl.u32 s12, $0x1  }
0xb8: {  	s13 =	sadd.s32 $0xFFFFFFFF, s13;
	p1 =	sgt.s32 s0, $0x11F  }
0xb9: {  	s10 =	smov.u32 @p1 s11  }
0xba: {  	s11 =	sor.u32 s10, s12  }
0xbb: {  	vm0 =	vge.u32 v4, s11;
	vm1 =	vge.u32 v5, s11;
	vm2 =	vge.u32 v6, s11  }
0xbc: {  	v39 =	vsel vm0, $0x1, v0;
	v40 =	vsel vm1, $0x1, v0;
	vm0 =	vge.u32 v7, s11  }
0xbd: {  	vm1 =	vge.u32 v8, s11;
	v39 =	vadd.s32 v40, v39;
	v40 =	vsel vm2, $0x1, v0  }
0xbe: {  	v39 =	vadd.s32 v40, v39;
	v40 =	vsel vm0, $0x1, v0;
	vm0 =	vge.u32 v9, s11  }
0xbf: {  	v39 =	vadd.s32 v40, v39;
	v40 =	vsel vm1, $0x1, v0;
	vm1 =	vge.u32 v10, s11  }
0xc0: {  	v39 =	vadd.s32 v40, v39;
	v40 =	vsel vm0, $0x1, v0;
	vm0 =	vge.u32 v11, s11  }
0xc1: {  	v39 =	vadd.s32 v40, v39;
	v40 =	vsel vm1, $0x1, v0;
	vm1 =	vge.u32 v12, s11  }
0xc2: {  	v39 =	vadd.s32 v40, v39;
	v40 =	vsel vm0, $0x1, v0;
	vm0 =	vge.u32 v13, s11  }
0xc3: {  	v39 =	vadd.s32 v40, v39;
	v40 =	vsel vm1, $0x1, v0;
	vm1 =	vge.u32 v14, s11  }
0xc4: {  	v39 =	vadd.s32 v40, v39;
	v40 =	vsel vm0, $0x1, v0;
	vm0 =	vge.u32 v15, s11  }
0xc5: {  	v39 =	vadd.s32 v40, v39;
	v40 =	vsel vm1, $0x1, v0;
	vm1 =	vge.u32 v16, s11  }
0xc6: {  	v39 =	vadd.s32 v40, v39;
	v40 =	vsel vm0, $0x1, v0;
	vm0 =	vge.u32 v17, s11  }
0xc7: {  	v39 =	vadd.s32 v40, v39;
	v40 =	vsel vm1, $0x1, v0;
	vm1 =	vge.u32 v18, s11  }
0xc8: {  	v39 =	vadd.s32 v40, v39;
	v40 =	vsel vm0, $0x1, v0;
	vm0 =	vge.u32 v19, s11  }
0xc9: {  	v39 =	vadd.s32 v40, v39;
	v40 =	vsel vm1, $0x1, v0;
	vm1 =	vge.u32 v20, s11  }
0xca: {  	v39 =	vadd.s32 v40, v39;
	v40 =	vsel vm0, $0x1, v0;
	vm0 =	vge.u32 v21, s11  }
0xcb: {  	v39 =	vadd.s32 v40, v39;
	v40 =	vsel vm1, $0x1, v0;
	vm1 =	vge.u32 v22, s11  }
0xcc: {  	v39 =	vadd.s32 v40, v39;
	v40 =	vsel vm0, $0x1, v0;
	vm0 =	vge.u32 v23, s11  }
0xcd: {  	v39 =	vadd.s32 v40, v39;
	v40 =	vsel vm1, $0x1, v0;
	vm1 =	vge.u32 v24, s11  }
0xce: {  	v39 =	vadd.s32 v40, v39;
	v40 =	vsel vm0, $0x1, v0;
	vm0 =	vge.u32 v25, s11  }
0xcf: {  	v39 =	vadd.s32 v40, v39;
	v40 =	vsel vm1, $0x1, v0;
	vm1 =	vge.u32 v26, s11  }
0xd0: {  	v39 =	vadd.s32 v40, v39;
	v40 =	vsel vm0, $0x1, v0;
	vm0 =	vge.u32 v27, s11  }
0xd1: {  	v39 =	vadd.s32 v40, v39;
	v40 =	vsel vm1, $0x1, v0;
	vm1 =	vge.u32 v3, s11  }
0xd2: {  	v39 =	vadd.s32 v40, v39;
	v40 =	vsel vm0, $0x1, v0;
	vm0 =	vge.u32 v28, s11  }
0xd3: {  	v39 =	vadd.s32 v40, v39;
	v40 =	vsel vm1, $0x1, v0;
	vm1 =	vge.u32 v29, s11  }
0xd4: {  	v39 =	vadd.s32 v40, v39;
	v40 =	vsel vm0, $0x1, v0;
	vm0 =	vge.u32 v30, s11  }
0xd5: {  	v39 =	vadd.s32 v40, v39;
	v40 =	vsel vm1, $0x1, v0;
	vm1 =	vge.u32 v31, s11  }
0xd6: {  	v39 =	vadd.s32 v40, v39;
	v40 =	vsel vm0, $0x1, v0;
	vm0 =	vge.u32 v32, s11  }
0xd7: {  	v39 =	vadd.s32 v40, v39;
	v40 =	vsel vm1, $0x1, v0;
	vm1 =	vge.u32 v33, s11  }
0xd8: {  	v39 =	vadd.s32 v40, v39;
	v40 =	vsel vm0, $0x1, v0;
	vm0 =	vge.u32 v34, s11  }
0xd9: {  	v39 =	vadd.s32 v40, v39;
	v40 =	vsel vm1, $0x1, v0;
	vm1 =	vge.u32 v35, s11  }
0xda: {  	v39 =	vadd.s32 v40, v39;
	v40 =	vsel vm0, $0x1, v0;
	vm0 =	vge.u32 v36, s11  }
0xdb: {  	v39 =	vadd.s32 v40, v39;
	v40 =	vsel vm1, $0x1, v0;
	vm1 =	vge.u32 v37, s11  }
0xdc: {  	v39 =	vadd.s32 v40, v39;
	v40 =	vsel vm0, $0x1, v0;
	vm0 =	vge.u32 v38, s11  }
0xdd: {  	v39 =	vadd.s32 v40, v39;
	v40 =	vsel vm1, $0x1, v0  }
0xde: {  	v39 =	vadd.s32 v40, v39;
	v40 =	vsel vm0, $0x1, v0  }
0xdf: {  	v39 =	vadd.s32 v40, v39  }
0xe0: {  	(v2sf) =	vpush v39, $0x3  }
0xe1: {  	(v2sf) =	vpush v39, $0x0  }
0xe2: {  	(v2sf) =	vpush v39, $0x1  }
0xe3: {  	(v2sf) =	vpush v39, $0x2  }
0xe4: {  	(v2sf) =	vpush v39, $0x5  }
0xe5: {  	(v2sf) =	vpush v39, $0x4  }
0xe6: {  	(v2sf) =	vpush v39, $0x7  }
0xe7: {  	(v2sf) =	vpush v39, $0x6  }
0xe8: {  	(v2sf) =	vpush v39, $0x9  }
0xe9: {  	(v2sf) =	vpush v39, $0x8  }
0xea: {  	(v2sf) =	vpush v39, $0xB  }
0xeb: {  	(v2sf) =	vpush v39, $0xA  }
0xec: {  	(v2sf) =	vpush v39, $0xD  }
0xed: {  	(v2sf) =	vpush v39, $0xC  }
0xee: {  	(v2sf) =	vpush v39, $0xF  }
0xef: {  	s0 =	spop (v2sf);
	(v2sf) =	vpush v39, $0xE  }
0xf0: {  	s14 =	spop (v2sf)  }
0xf1: {  	s15 =	spop (v2sf)  }
0xf2: {  	s14 =	sadd.s32 s15, s14;
	s15 =	spop (v2sf)  }
0xf3: {  	s0 =	sadd.s32 s0, s14;
	s14 =	spop (v2sf)  }
0xf4: {  	s0 =	sadd.s32 s15, s0;
	s15 =	spop (v2sf)  }
0xf5: {  	s0 =	sadd.s32 s14, s0;
	s14 =	spop (v2sf)  }
0xf6: {  	s0 =	sadd.s32 s15, s0;
	s15 =	spop (v2sf)  }
0xf7: {  	s0 =	sadd.s32 s14, s0;
	s14 =	spop (v2sf)  }
0xf8: {  	s0 =	sadd.s32 s15, s0;
	s15 =	spop (v2sf)  }
0xf9: {  	s0 =	sadd.s32 s14, s0;
	s14 =	spop (v2sf)  }
0xfa: {  	s0 =	sadd.s32 s15, s0;
	s15 =	spop (v2sf)  }
.Ltmp4:
0xfb: {  	s0 =	sadd.s32 s14, s0;
	s14 =	spop (v2sf);
	(pc) =	sbr.rel @p0 .LBB2_5-.Ltmp4, $4  }
0xfc: {  	s0 =	sadd.s32 s15, s0;
	s15 =	spop (v2sf)  }
0xfd: {  	s0 =	sadd.s32 s14, s0;
	s14 =	spop (v2sf)  }
0xfe: {  	s15 =	sadd.s32 s15, s0;
	s0 =	spop (v2sf)  }
0xff: {  	s14 =	sadd.s32 s14, s15  }
0x100: {  	v4 =	vld [tilespmem:$0x2800]  }
0x101: {  	v5 =	vld [tilespmem:$0x2810]  }
0x102: {  	v6 =	vld [tilespmem:$0x2820]  }
0x103: {  	s0 =	sadd.s32 s0, s14;
	v7 =	vld [tilespmem:$0x2830]  }
0x104: {  	v8 =	vld [tilespmem:$0x2840];
	p0 =	sgt.s32 s0, $0x11F  }
0x105: {  	v9 =	vld [tilespmem:$0x2850];
	s10 =	smov.u32 @p0 s11  }
0x106: {  	vm0 =	vgt.u32 v4, s10;
	vm1 =	vgt.u32 v5, s10;
	v4 =	vld [tilespmem:$0x2860]  }
0x107: {  	v15 =	vld [tilespmem:$0x2870];
	vm6 =	vgt.u32 v6, s10;
	v5 =	vsel vm0, $0x1, v0;
	v10 =	vsel vm1, $0x1, v0  }
0x108: {  	v17 =	vld [tilespmem:$0x2880];
	vm7 =	vgt.u32 v7, s10;
	v16 =	vsel vm6, $0x1, v0;
	v5 =	vadd.s32 v10, v5  }
0x109: {  	v19 =	vld [tilespmem:$0x2890];
	vm8 =	vgt.u32 v8, s10;
	v18 =	vsel vm7, $0x1, v0;
	v5 =	vadd.s32 v16, v5  }
0x10a: {  	v21 =	vld [tilespmem:$0x28A0];
	vm9 =	vgt.u32 v9, s10;
	v20 =	vsel vm8, $0x1, v0;
	v5 =	vadd.s32 v18, v5  }
0x10b: {  	v22 =	vsel vm9, $0x1, v0;
	v5 =	vadd.s32 v20, v5;
	vm10 =	vgt.u32 v4, s10;
	v4 =	vld [tilespmem:$0x28B0]  }
0x10c: {  	v24 =	vld [tilespmem:$0x28C0];
	vm11 =	vgt.u32 v15, s10;
	v5 =	vadd.s32 v22, v5;
	v23 =	vsel vm10, $0x1, v0  }
0x10d: {  	v26 =	vld [tilespmem:$0x28D0];
	vm12 =	vgt.u32 v17, s10;
	v25 =	vsel vm11, $0x1, v0;
	v5 =	vadd.s32 v23, v5  }
0x10e: {  	v28 =	vld [tilespmem:$0x28E0];
	vm13 =	vgt.u32 v19, s10;
	v27 =	vsel vm12, $0x1, v0;
	v5 =	vadd.s32 v25, v5  }
0x10f: {  	v30 =	vld [tilespmem:$0x28F0];
	vm14 =	vgt.u32 v21, s10;
	v29 =	vsel vm13, $0x1, v0;
	v5 =	vadd.s32 v27, v5  }
0x110: {  	v31 =	vsel vm14, $0x1, v0;
	v5 =	vadd.s32 v29, v5;
	vm15 =	vgt.u32 v4, s10;
	v4 =	vld [tilespmem:$0x2900]  }
0x111: {  	v33 =	vld [tilespmem:$0x2910];
	vm4 =	vgt.u32 v24, s10;
	v5 =	vadd.s32 v31, v5;
	v32 =	vsel vm15, $0x1, v0  }
0x112: {  	v35 =	vld [tilespmem:$0x2920];
	vm5 =	vgt.u32 v26, s10;
	v34 =	vsel vm4, $0x1, v0;
	v5 =	vadd.s32 v32, v5  }
0x113: {  	v37 =	vld [tilespmem:$0x2930];
	v36 =	vsel vm5, $0x1, v0;
	vm6 =	vgt.u32 v28, s10;
	v5 =	vadd.s32 v34, v5  }
0x114: {  	v39 =	vld [tilespmem:$0x2940];
	vm7 =	vgt.u32 v30, s10;
	v38 =	vsel vm6, $0x1, v0;
	v5 =	vadd.s32 v36, v5  }
0x115: {  	v40 =	vsel vm7, $0x1, v0;
	v5 =	vadd.s32 v38, v5;
	vm8 =	vgt.u32 v4, s10;
	v4 =	vld [tilespmem:$0x2950]  }
0x116: {  	v42 =	vld [tilespmem:$0x2960];
	vm9 =	vgt.u32 v33, s10;
	v5 =	vadd.s32 v40, v5;
	v41 =	vsel vm8, $0x1, v0  }
0x117: {  	v44 =	vld [tilespmem:$0x2970];
	v43 =	vsel vm9, $0x1, v0;
	vm10 =	vgt.u32 v35, s10;
	v5 =	vadd.s32 v41, v5  }
0x118: {  	vm11 =	vgt.u32 v37, s10;
	v45 =	vsel vm10, $0x1, v0;
	v5 =	vadd.s32 v43, v5  }
0x119: {  	v46 =	vld [tilespmem:$0x2990];
	vm12 =	vgt.u32 v39, s10;
	v8 =	vsel vm11, $0x1, v0;
	v5 =	vadd.s32 v45, v5  }
0x11a: {  	v47 =	vsel vm12, $0x1, v0;
	v5 =	vadd.s32 v8, v5;
	vm13 =	vgt.u32 v4, s10;
	v4 =	vld [tilespmem:$0x29A0]  }
0x11b: {  	v49 =	vld [tilespmem:$0x29B0];
	vm14 =	vgt.u32 v42, s10;
	v5 =	vadd.s32 v47, v5;
	v48 =	vsel vm13, $0x1, v0  }
0x11c: {  	v51 =	vld [tilespmem:$0x29C0];
	v50 =	vsel vm14, $0x1, v0;
	vm15 =	vgt.u32 v44, s10;
	v5 =	vadd.s32 v48, v5  }
0x11d: {  	vm4 =	vgt.u32 v3, s10;
	v3 =	vld [tilespmem:$0x29D0];
	v52 =	vsel vm15, $0x1, v0;
	v5 =	vadd.s32 v50, v5  }
0x11e: {  	v54 =	vld [tilespmem:$0x29E0];
	vm5 =	vgt.u32 v46, s10;
	v53 =	vsel vm4, $0x1, v0;
	v5 =	vadd.s32 v52, v5  }
0x11f: {  	v55 =	vsel vm5, $0x1, v0;
	v5 =	vadd.s32 v53, v5;
	vm6 =	vgt.u32 v4, s10;
	v4 =	vld [tilespmem:$0x29F0]  }
0x120: {  	v57 =	vld [tilespmem:$0x2A00];
	vm7 =	vgt.u32 v49, s10;
	v5 =	vadd.s32 v55, v5;
	v56 =	vsel vm6, $0x1, v0  }
0x121: {  	v59 =	vld [tilespmem:$0x2A10];
	v58 =	vsel vm7, $0x1, v0;
	vm8 =	vgt.u32 v51, s10;
	v5 =	vadd.s32 v56, v5  }
0x122: {  	vm9 =	vgt.u32 v3, s10;
	v3 =	vld [tilespmem:$0x2A20];
	v60 =	vsel vm8, $0x1, v0;
	v5 =	vadd.s32 v58, v5  }
0x123: {  	v62 =	vld [tilespmem:$0x2A30];
	v61 =	vsel vm9, $0x1, v0;
	vm10 =	vgt.u32 v54, s10;
	v5 =	vadd.s32 v60, v5  }
0x124: {  	v63 =	vsel vm10, $0x1, v0;
	v5 =	vadd.s32 v61, v5;
	vm11 =	vgt.u32 v4, s10  }
0x125: {  	vm12 =	vgt.u32 v57, s10;
	v4 =	vadd.s32 v63, v5;
	v5 =	vsel vm11, $0x1, v0  }
0x126: {  	vm13 =	vgt.u32 v59, s10;
	v4 =	vadd.s32 v5, v4;
	v5 =	vsel vm12, $0x1, v0  }
0x127: {  	vm14 =	vgt.u32 v3, s10;
	v4 =	vadd.s32 v5, v4;
	v5 =	vsel vm13, $0x1, v0  }
0x128: {  	vm15 =	vgt.u32 v62, s10;
	v3 =	vadd.s32 v5, v4;
	v4 =	vsel vm14, $0x1, v0  }
0x129: {  	v3 =	vadd.s32 v4, v3;
	v4 =	vsel vm15, $0x1, v0  }
0x12a: {  	v3 =	vadd.s32 v4, v3  }
0x12b: {  	(v2sf) =	vpush v3, $0x0  }
0x12c: {  	(v2sf) =	vpush v3, $0x1  }
0x12d: {  	(v2sf) =	vpush v3, $0x2  }
0x12e: {  	(v2sf) =	vpush v3, $0x3  }
0x12f: {  	(v2sf) =	vpush v3, $0x4  }
0x130: {  	(v2sf) =	vpush v3, $0x5  }
0x131: {  	(v2sf) =	vpush v3, $0x6  }
0x132: {  	(v2sf) =	vpush v3, $0x7  }
0x133: {  	(v2sf) =	vpush v3, $0x8  }
0x134: {  	(v2sf) =	vpush v3, $0x9  }
0x135: {  	(v2sf) =	vpush v3, $0xA  }
0x136: {  	(v2sf) =	vpush v3, $0xB  }
0x137: {  	(v2sf) =	vpush v3, $0xC  }
0x138: {  	(v2sf) =	vpush v3, $0xD  }
0x139: {  	(v2sf) =	vpush v3, $0xE  }
0x13a: {  	s17 =	spop (v2sf);
	(v2sf) =	vpush v3, $0xF  }
0x13b: {  	s18 =	spop (v2sf)  }
0x13c: {  	s12 =	spop (v2sf)  }
0x13d: {  	s0 =	sadd.s32 s17, s18;
	s13 =	spop (v2sf)  }
0x13e: {  	s19 =	spop (v2sf);
	s0 =	sadd.s32 s13, s0  }
0x13f: {  	s20 =	spop (v2sf);
	s0 =	sadd.s32 s12, s0  }
0x140: {  	s21 =	spop (v2sf);
	s0 =	sadd.s32 s20, s0  }
0x141: {  	s22 =	spop (v2sf);
	s0 =	sadd.s32 s19, s0  }
0x142: {  	s23 =	spop (v2sf);
	s0 =	sadd.s32 s22, s0  }
0x143: {  	s24 =	spop (v2sf);
	s0 =	sadd.s32 s21, s0  }
0x144: {  	s25 =	spop (v2sf);
	s0 =	sadd.s32 s24, s0  }
0x145: {  	s26 =	spop (v2sf);
	s0 =	sadd.s32 s23, s0  }
0x146: {  	s28 =	spop (v2sf);
	s0 =	sadd.s32 s26, s0  }
.Ltmp5:
0x147: {  	s29 =	spop (v2sf);
	s0 =	sadd.s32 s25, s0;
	(pc) =	sbr.rel .LBB2_7-.Ltmp5, $4  }
0x148: {  	s30 =	spop (v2sf);
	s0 =	sadd.s32 s29, s0  }
0x149: {  	s31 =	spop (v2sf);
	s0 =	sadd.s32 s28, s0  }
0x14a: {  	s0 =	sadd.s32 s31, s0  }
0x14b: {  	s11 =	simm.s32 $0x0;
	v3 =	vmov s10;
	s12 =	simm.s32 $0x0;
	s10 =	sadd.s32 s30, s0  }
.LBB2_9:
0x14c: {  	s20 =	sadd.s32 s12, s10  }
0x14d: {  	s1 =	ssub.s32 $0x120, s20  }
0x14e: {  	p0 =	sgt.s32 s1, $0x0  }
0x14f: {  	p1 =	slt.s32 s1, $0x1;
	s1 =	simm.s32 @!p0 $0x0  }
0x150: {  	s20 =	smov.u32 s14;
	p0 =	slt.s32 s1, s14  }
0x151: {  	s20 =	smov.u32 @p0 s1  }
0x152: {  	s20 =	simm.s32 @p1 $0x3E7  }
0x153: {  	p0 =	sne.s32 s18, s20;
	p1 =	seq.s32 s0, s20  }
0x154: {  	s18 =	simm.s32 $0xFFFFFFFF;
	p1 =	por !p0, !p1  }
0x155: {  	s18 =	simm.s32 @!p0 $0x0;
	p1 =	por !p1, !p1  }
0x156: {  	s18 =	simm.s32 @p1 $0x1;
	p2 =	por !p1, !p1  }
0x157: {  	s31 =	sadd.s32 s31, s0;
	p2 =	por @!p0 p1, p1;
	s1 =	smov.u32 s18  }
0x158: {  	p0 =	seq.s32 s31, s20;
	s1 =	simm.s32 @p2 $0x2  }
0x159: {  	s18 =	smov.u32 @p0 s1  }
0x15a: {  	s0 =	sadd.s32 s30, s31;
	p0 =	seq.s32 s18, $0xFFFFFFFF;
	s1 =	smov.u32 s18  }
0x15b: {  	p1 =	seq.s32 s0, s20;
	s1 =	simm.s32 @p0 $0x3  }
0x15c: {  	s18 =	smov.u32 @p1 s1  }
0x15d: {  	s0 =	sadd.s32 s29, s0;
	p0 =	seq.s32 s18, $0xFFFFFFFF;
	s1 =	smov.u32 s18  }
0x15e: {  	p1 =	seq.s32 s0, s20;
	s1 =	simm.s32 @p0 $0x4  }
0x15f: {  	s18 =	smov.u32 @p1 s1  }
0x160: {  	s0 =	sadd.s32 s28, s0;
	p0 =	seq.s32 s18, $0xFFFFFFFF;
	s1 =	smov.u32 s18  }
0x161: {  	p1 =	seq.s32 s0, s20;
	s1 =	simm.s32 @p0 $0x5  }
0x162: {  	s18 =	smov.u32 @p1 s1  }
0x163: {  	s0 =	sadd.s32 s26, s0;
	p0 =	seq.s32 s18, $0xFFFFFFFF;
	s1 =	smov.u32 s18  }
0x164: {  	p1 =	seq.s32 s0, s20;
	s1 =	simm.s32 @p0 $0x6  }
0x165: {  	s18 =	smov.u32 @p1 s1  }
0x166: {  	s0 =	sadd.s32 s25, s0;
	p0 =	seq.s32 s18, $0xFFFFFFFF;
	s1 =	smov.u32 s18  }
0x167: {  	p1 =	seq.s32 s0, s20;
	s1 =	simm.s32 @p0 $0x7  }
0x168: {  	s18 =	smov.u32 @p1 s1  }
0x169: {  	s0 =	sadd.s32 s24, s0;
	p0 =	seq.s32 s18, $0xFFFFFFFF;
	s1 =	smov.u32 s18  }
0x16a: {  	p1 =	seq.s32 s0, s20;
	s1 =	simm.s32 @p0 $0x8  }
0x16b: {  	s18 =	smov.u32 @p1 s1  }
0x16c: {  	s0 =	sadd.s32 s23, s0;
	p0 =	seq.s32 s18, $0xFFFFFFFF;
	s1 =	smov.u32 s18  }
0x16d: {  	p1 =	seq.s32 s0, s20;
	s1 =	simm.s32 @p0 $0x9  }
0x16e: {  	s18 =	smov.u32 @p1 s1  }
0x16f: {  	s0 =	sadd.s32 s22, s0;
	p0 =	seq.s32 s18, $0xFFFFFFFF;
	s1 =	smov.u32 s18  }
0x170: {  	p1 =	seq.s32 s0, s20;
	s1 =	simm.s32 @p0 $0xA  }
0x171: {  	s18 =	smov.u32 @p1 s1  }
0x172: {  	s0 =	sadd.s32 s21, s0;
	p0 =	seq.s32 s18, $0xFFFFFFFF;
	s1 =	smov.u32 s18  }
0x173: {  	p1 =	seq.s32 s0, s20;
	s1 =	simm.s32 @p0 $0xB  }
0x174: {  	s18 =	smov.u32 @p1 s1  }
0x175: {  	s0 =	sadd.s32 s19, s0;
	p0 =	seq.s32 s18, $0xFFFFFFFF;
	s1 =	smov.u32 s18  }
0x176: {  	p1 =	seq.s32 s0, s20;
	s1 =	simm.s32 @p0 $0xC  }
0x177: {  	s18 =	smov.u32 @p1 s1  }
0x178: {  	s0 =	sadd.s32 s17, s0;
	p0 =	seq.s32 s18, $0xFFFFFFFF;
	s1 =	smov.u32 s18  }
0x179: {  	p1 =	seq.s32 s0, s20;
	s1 =	simm.s32 @p0 $0xD  }
0x17a: {  	s18 =	smov.u32 @p1 s1  }
0x17b: {  	s0 =	sadd.s32 s16, s0;
	p0 =	seq.s32 s18, $0xFFFFFFFF;
	s1 =	smov.u32 s18  }
0x17c: {  	p1 =	seq.s32 s0, s20;
	s1 =	simm.s32 @p0 $0xE  }
0x17d: {  	s18 =	smov.u32 @p1 s1  }
0x17e: {  	s0 =	sadd.s32 s15, s0;
	p0 =	seq.s32 s18, $0xFFFFFFFF;
	s1 =	smov.u32 s18  }
0x17f: {  	p1 =	seq.s32 s0, s20;
	s1 =	simm.s32 @p0 $0xF  }
0x180: {  	s18 =	smov.u32 @p1 s1  }
.LBB2_10:
0x181: {  	s11 =	sadd.s32 $0x40, s11  }
0x182: {  	v5 =	vmov s18;
	p0 =	sne.s32 s11, $0x900  }
.Ltmp6:
0x183: {  	vm1 =	vgt.s32 v5, v1;
	(pc) =	sbr.rel @!p0 .LBB2_11-.Ltmp6, $4  }
0x184: {  	vm2 =	vgt.u32 v4, v3;
	vm0 =	vmand vm0, vm1  }
0x185: {  	vm0 =	vmor vm2, vm0  }
0x186: {  	v4 =	vsel vm0, $0x3F800000, v2  }
0x187: {  	s12 =	sadd.s32 s12, s14;
	[tilespmem:s13+$0x2A80] =	vst v4  }
.LBB2_7:
0x188: {  	s13 =	sshra.s32 s11, $0x2  }
0x189: {  	v4 =	vld [tilespmem:s13+$0x2800];
	_ =	sdelay $0x4  }
0x18a: {  	vm0 =	veq.s32 v4, v3  }
0x18b: {  	v5 =	vsel vm0, $0x1, v0  }
0x18c: {  	(v2sf) =	vpush v5, $0x0  }
0x18d: {  	(v2sf) =	vpush v5, $0x1  }
0x18e: {  	(v2sf) =	vpush v5, $0x2  }
0x18f: {  	(v2sf) =	vpush v5, $0x3  }
0x190: {  	(v2sf) =	vpush v5, $0x4  }
0x191: {  	(v2sf) =	vpush v5, $0x5  }
0x192: {  	(v2sf) =	vpush v5, $0x6  }
0x193: {  	(v2sf) =	vpush v5, $0x7  }
0x194: {  	(v2sf) =	vpush v5, $0x8  }
0x195: {  	(v2sf) =	vpush v5, $0x9  }
0x196: {  	(v2sf) =	vpush v5, $0xA  }
0x197: {  	(v2sf) =	vpush v5, $0xB  }
0x198: {  	(v2sf) =	vpush v5, $0xC  }
0x199: {  	(v2sf) =	vpush v5, $0xD  }
0x19a: {  	(v2sf) =	vpush v5, $0xE  }
0x19b: {  	s18 =	spop (v2sf);
	(v2sf) =	vpush v5, $0xF  }
0x19c: {  	s0 =	spop (v2sf)  }
0x19d: {  	s31 =	spop (v2sf)  }
0x19e: {  	s30 =	spop (v2sf)  }
0x19f: {  	s29 =	spop (v2sf)  }
0x1a0: {  	s14 =	sadd.s32 s30, s31;
	s28 =	spop (v2sf)  }
0x1a1: {  	s26 =	spop (v2sf);
	s14 =	sadd.s32 s28, s14  }
0x1a2: {  	s25 =	spop (v2sf);
	s14 =	sadd.s32 s29, s14  }
0x1a3: {  	s24 =	spop (v2sf);
	s14 =	sadd.s32 s25, s14  }
0x1a4: {  	s23 =	spop (v2sf);
	s14 =	sadd.s32 s26, s14  }
0x1a5: {  	s22 =	spop (v2sf);
	s14 =	sadd.s32 s23, s14  }
0x1a6: {  	s21 =	spop (v2sf);
	s14 =	sadd.s32 s24, s14  }
0x1a7: {  	s19 =	spop (v2sf);
	s14 =	sadd.s32 s21, s14  }
0x1a8: {  	s17 =	spop (v2sf);
	s14 =	sadd.s32 s22, s14  }
0x1a9: {  	s16 =	spop (v2sf);
	s14 =	sadd.s32 s17, s14  }
0x1aa: {  	s15 =	spop (v2sf);
	s14 =	sadd.s32 s19, s14  }
0x1ab: {  	s14 =	sadd.s32 s15, s14  }
0x1ac: {  	s0 =	sadd.s32 s0, s18;
	s14 =	sadd.s32 s16, s14  }
0x1ad: {  	s14 =	sadd.s32 s0, s14  }
0x1ae: {  	p0 =	seq.s32 s14, $0x0  }
.Ltmp7:
0x1af: {  	_ = 	snop;
	(pc) =	sbr.rel @!p0 .LBB2_9-.Ltmp7, $1  }
0x1b0: {  	_ =	sdelay $0x3  }
.Ltmp8:
0x1b1: {  	(pc) =	sbr.rel .LBB2_10-.Ltmp8, $2  }
0x1b2: {  	_ =	sdelay $0x2  }
0x1b3: {  	s18 =	simm.s32 $0xFFFFFFFF  }
.LBB2_12:
0x1b4: {  	_ =	sfence.sel $0x180000  }
0x1b5: {  	[bflag:$0x0] =	sbarrier.arrive $0xFFFF  }
0x1b6: {  	_ =	strace $0x90000047  }
0x1b7: {  	s0 =	stileid.u32;
	[bflag:$0x2] =	sbarrier.arrive $0xFFFF  }
0x1b8: {  	p0 =	sne.s32 s0, $0x0;
	s0 =	rddreg [dreg:$0x2]  }
0x1b9: {  	s0 =	sadd.s32 @!p0 $0x100000, s0  }
0x1ba: {  	[sflag:s0] =	ssyncadd.tile.s32 @!p0 $0x1;
	_ =	shalt  }
.Lfunc_end2:
_tile_overlayer_lowered:
.L_overlay_start_2:
0x1bb: {  	(tag) =	ssettag $0x2  }
0x1bc: {  	s0 =	rddreg [dreg:$0x0];
	s2 =	stileid.u32  }
0x1bd: {  	s1 =	rddreg [dreg:$0x1];
	p0 =	sne.s32 s2, $0x0  }
0x1be: {  	s3 =	rddreg [dreg:$0x2];
	[bflag:$0x3] =	sbarrier.arrive $0xFFFF;
	s2 =	simm.s32 @!p0 $0x1C01  }
0x1bf: {  	[timem:s3], [sflag:s2] =	dma.local @!p0 [hbm:s0], s1  }
0x1c0: {  	s0 =	simm.s32 @!p0 $0x1  }
0x1c1: {  	_ =	swait.ge @!p0 [sflag:s0], s1  }
0x1c2: {  	s1 =	ssub.s32 @!p0 $0x0, s1;
	[sflag:s0] =	ssyncset.done @!p0 $0x0  }
0x1c3: {  	[sflag:s0] =	ssyncadd.s32 @!p0 s1  }
0x1c4: {  	[bflag:$0x3] =	sbarrier.arrive $0xFFFF  }
0x1c5: {  	_ =	shalt  }

</sc_bundles>
